<compile_context>
chip_gen: v7x
topology: tpu7x:2x2x1
jax: 0.10.2.dev20260603
libtpu: 0.0.44.dev20260713+nightly
codegen_flags: <defaults>
</compile_context>

<pallas_src>
import functools

import jax
import jax.numpy as jnp
from jax import lax
from jax.experimental import pallas as pl
from jax.experimental.pallas import tpu as pltpu
from jax.experimental.pallas import tpu_sc as plsc

NC = 2
NS = 16
LANES = 16
NW = NC * NS


def _make_pool_kernel(B, L, EMB, chunk):
  bags_per_w = B // NW
  nchunks = bags_per_w // chunk
  nt = 2 * nchunks
  nidx = chunk * L
  nv = EMB // LANES
  inv_l = jnp.float32(1.0 / L)
  mesh = plsc.VectorSubcoreMesh(
      core_axis_name="c", subcore_axis_name="s",
      num_cores=NC, num_subcores=NS)

  def body(idx_hbm, table_hbm, out_hbm, idx_v0, idx_v1, rows0, rows1, outbuf,
           sem0, sem1):
    wid = lax.axis_index("s") * NC + lax.axis_index("c")
    wbase = wid * bags_per_w
    bufs = ((idx_v0, rows0, sem0), (idx_v1, rows1, sem1))

    def idx_off(t):
      s = (t >= nchunks).astype(jnp.int32)
      cc = t - s * nchunks
      return s * (B * L) + (wbase + cc * chunk) * L

    def stage_and_start(t, ib, rb, sm):
      pltpu.sync_copy(idx_hbm.at[pl.ds(idx_off(t), nidx)], ib)
      pltpu.async_copy(table_hbm.at[ib], rb, sm)

    stage_and_start(jnp.int32(0), *bufs[0])

    def pair_body(p, carry):
      for b in range(2):
        t = p * 2 + b
        ib, rb, sm = bufs[b]
        nib, nrb, nsm = bufs[1 - b]

        @pl.when(t + 1 < nt)
        def _():
          stage_and_start(t + 1, nib, nrb, nsm)

        pltpu.make_async_copy(table_hbm.at[ib], rb, sm).wait()

        for i in range(chunk):
          def jb(j, acc, _rb=rb, _i=i):
            r = _i * L + j
            return tuple(acc[v] + _rb[r, pl.ds(v * LANES, LANES)]
                         for v in range(nv))
          zero = jnp.zeros((LANES,), jnp.float32)
          acc = lax.fori_loop(0, L, jb, (zero,) * nv)
          for v in range(nv):
            outbuf[i, pl.ds(v * LANES, LANES)] = acc[v] * inv_l

        s = (t >= nchunks).astype(jnp.int32)
        cc = t - s * nchunks
        rowbase = wbase + cc * chunk
        pltpu.sync_copy(
            outbuf,
            out_hbm.at[pl.ds(rowbase, chunk), pl.ds(s * EMB, EMB)])
      return carry

    lax.fori_loop(0, nt // 2, pair_body, 0)

  return pl.kernel(
      body,
      out_type=jax.ShapeDtypeStruct((B, 2 * EMB), jnp.float32),
      mesh=mesh,
      scratch_types=[
          pltpu.VMEM((nidx,), jnp.int32),
          pltpu.VMEM((nidx,), jnp.int32),
          pltpu.VMEM((nidx, EMB), jnp.float32),
          pltpu.VMEM((nidx, EMB), jnp.float32),
          pltpu.VMEM((chunk, EMB), jnp.float32),
          pltpu.SemaphoreType.DMA,
          pltpu.SemaphoreType.DMA,
      ],
      compiler_params=pltpu.CompilerParams(use_tc_tiling_on_sc=False),
  )


def _flatten_table(table):
  V, E = table.shape
  tt = jnp.transpose(table)
  C = 2048
  nb = pl.cdiv(V, C)
  half = C // 2

  def body(t_ref, o_ref):
    tr = jnp.transpose(t_ref[...])
    o_ref[...] = jnp.concatenate([tr[:half], tr[half:]], axis=1)

  out = pl.pallas_call(
      body,
      grid=(nb,),
      in_specs=[pl.BlockSpec((E, C), lambda i: (0, i))],
      out_specs=pl.BlockSpec((half, 2 * E), lambda i: (i, 0)),
      out_shape=jax.ShapeDtypeStruct((nb * half, 2 * E), jnp.float32),
  )(tt)
  return out.reshape(nb * C, E)


def _permute_idx(idx):
  l = idx & 2047
  return (idx - l) + ((l & 1023) << 1) + (l >> 10)


def _mlp(pooled, w1, b1, w2, b2, w3, b3):
  B, D = pooled.shape
  R = 2048

  def body(x_ref, w1_ref, b1_ref, w2_ref, b2_ref, w3_ref, b3_ref, o_ref):
    x = x_ref[...]
    h = jnp.maximum(
        jnp.dot(x, w1_ref[...], preferred_element_type=jnp.float32)
        + b1_ref[...], 0.0)
    h = jnp.maximum(
        jnp.dot(h, w2_ref[...], preferred_element_type=jnp.float32)
        + b2_ref[...], 0.0)
    o_ref[...] = (
        jnp.dot(h, w3_ref[...], preferred_element_type=jnp.float32)
        + b3_ref[...])

  wspec = pl.BlockSpec((D, D), lambda i: (0, 0))
  bspec = pl.BlockSpec((1, D), lambda i: (0, 0))
  return pl.pallas_call(
      body,
      grid=(B // R,),
      in_specs=[
          pl.BlockSpec((R, D), lambda i: (i, 0)),
          wspec, bspec, wspec, bspec, wspec, bspec,
      ],
      out_specs=pl.BlockSpec((R, D), lambda i: (i, 0)),
      out_shape=jax.ShapeDtypeStruct((B, D), jnp.float32),
  )(pooled, w1, b1, w2, b2, w3, b3)


def _pad_to(x, shape):
  pads = [(0, t - s) for s, t in zip(x.shape, shape)]
  return jnp.pad(x, pads)


def kernel(data_hypo, length_hypo, data_prem, length_prem, table,
           W1, b1, W2, b2, W3, b3):
  B, L = data_hypo.shape
  EMB = table.shape[1]
  D = 2 * EMB

  idx_h = _permute_idx(jnp.reshape(data_hypo, (-1,)).astype(jnp.int32))
  idx_p = _permute_idx(jnp.reshape(data_prem, (-1,)).astype(jnp.int32))
  idx_all = jnp.concatenate([idx_h, idx_p])

  table_b, idx_all = lax.optimization_barrier((table, idx_all))

  table_lin = _flatten_table(table_b)
  pooled = _make_pool_kernel(B, L, EMB, chunk=8)(idx_all, table_lin)

  w1 = _pad_to(W1, (D, D))
  w2 = _pad_to(W2, (D, D))
  w3 = _pad_to(W3, (D, D))
  b1p = _pad_to(b1.reshape(1, -1), (1, D))
  b2p = _pad_to(b2.reshape(1, -1), (1, D))
  b3p = _pad_to(b3.reshape(1, -1), (1, D))

  y = _mlp(pooled, w1, b1p, w2, b2p, w3, b3p)
  return y[:, :W3.shape[1]]

# --- scband reference (transcript-rebuilt; emitter-appended) ---
"""Pipeline reference for scband-neural-network-pytorch-3195455668654 (READ-ONLY COPY).

The authoritative reference and input builder live on the scoring server;
editing this copy changes nothing except your own understanding.
"""

import jax, jax.numpy as jnp
import numpy as np

VOCAB = 1000000
EMB = 64
B = 16384
L = 50
H1 = 90
H2 = 90
NOUT = 3

def setup_inputs(seed: int = 0) -> dict:
    key = jax.random.key(seed)
    ks = jax.random.split(key, 12)
    data_hypo = jax.random.randint(ks[0], (B, L), 0, VOCAB, dtype=jnp.int64)
    length_hypo = jax.random.randint(ks[1], (B,), 0, L, dtype=jnp.int64)
    data_prem = jax.random.randint(ks[2], (B, L), 0, VOCAB, dtype=jnp.int64)
    length_prem = jax.random.randint(ks[3], (B,), 0, L, dtype=jnp.int64)
    table = jax.random.normal(ks[4], (VOCAB, EMB), dtype=jnp.float32) * 0.02
    in_dim = 2 * EMB  # interaction_type == 'concat'
    W1 = jax.random.normal(ks[5], (in_dim, H1), dtype=jnp.float32) * (1.0 / np.sqrt(in_dim))
    b1 = jnp.zeros((H1,), dtype=jnp.float32)
    W2 = jax.random.normal(ks[6], (H1, H2), dtype=jnp.float32) * (1.0 / np.sqrt(H1))
    b2 = jnp.zeros((H2,), dtype=jnp.float32)
    W3 = jax.random.normal(ks[7], (H2, NOUT), dtype=jnp.float32) * (1.0 / np.sqrt(H2))
    b3 = jnp.zeros((NOUT,), dtype=jnp.float32)
    return {"data_hypo": data_hypo, "length_hypo": length_hypo,
            "data_prem": data_prem, "length_prem": length_prem,
            "table": table, "W1": W1, "b1": b1, "W2": W2, "b2": b2, "W3": W3, "b3": b3}

def reference(data_hypo, length_hypo, data_prem, length_prem, table, W1, b1, W2, b2, W3, b3):
    # nn.EmbeddingBag with default mode='mean': gather rows then mean over bag dim.
    # (torch EmbeddingBag on 2D input pools over the full row; lengths args are unused
    #  by the original forward as well.)
    embed_hypo = jnp.take(table, data_hypo, axis=0).mean(axis=1)  # [B, EMB]
    embed_prem = jnp.take(table, data_prem, axis=0).mean(axis=1)  # [B, EMB]
    x = jnp.concatenate([embed_hypo, embed_prem], axis=1)  # interaction_type == 'concat'
    x = jax.nn.relu(x @ W1 + b1)
    x = jax.nn.relu(x @ W2 + b2)
    y = x @ W3 + b3
    return y

if __name__ == "__main__":
    import jax
    _d = setup_inputs()
    print(jax.jit(kernel)(*tuple(_d.values())))

</pallas_src>

<mosaic_0001>
#map = affine_map<(d0, d1) -> (0)>
#map1 = affine_map<(d0, d1) -> (0, 0)>
module attributes {stable_mosaic.version = 14 : i64} {
  func.func @_rewritten_body(%arg0: i32, %arg1: i32, %arg2: memref<1638400xi32, #tpu.memory_space<hbm>>, %arg3: memref<1001472x64xf32, #tpu.memory_space<hbm>>, %arg4: memref<1xf32, #tpu.memory_space<hbm>>, %arg5: memref<16384x128xf32, #tpu.memory_space<hbm>>, %arg6: memref<400xi32, #tpu.memory_space<vmem>>, %arg7: memref<400xi32, #tpu.memory_space<vmem>>, %arg8: memref<400x64xf32, #tpu.memory_space<vmem>>, %arg9: memref<400x64xf32, #tpu.memory_space<vmem>>, %arg10: memref<8x64xf32, #tpu.memory_space<vmem>>, %arg11: memref<!tpu.dma_semaphore, #tpu.memory_space<semaphore_mem>>, %arg12: memref<!tpu.dma_semaphore, #tpu.memory_space<semaphore_mem>>) attributes {dimension_semantics = [#tpu.dimension_semantics<core_parallel>, #tpu.dimension_semantics<subcore_parallel>], iteration_bounds = array<i64: 2, 16>, scalar_prefetch = 0 : i64, scratch_operands = 7 : i64, tpu.core_type = #tpu.core_type<sc_vector_subcore>, window_params = [{transform_indices = #map}, {transform_indices = #map1}, {transform_indices = #map}, {transform_indices = #map1}]} {
    %empty_ref3A = memref.alloca() : memref<16xf32, #tpu.memory_space<vmem>>
    "tpu.region"() ({
      %run_scoped3A = tpu.sem_alloc : memref<!tpu.dma_semaphore, #tpu.memory_space<semaphore_mem>>
      %dma_start3A_25 = arith.constant 0 : i32
      %dma_start3A_26 = tpu.memref_slice %empty_ref3A[%dma_start3A_25] : memref<16xf32, #tpu.memory_space<vmem>> -> memref<1xf32, #tpu.memory_space<vmem>>
      %dma_start3A_27 = arith.constant 0 : i32
      %dma_start3A_28 = tpu.memref_slice %empty_ref3A[%dma_start3A_27] : memref<16xf32, #tpu.memory_space<vmem>> -> memref<1xf32, #tpu.memory_space<vmem>>
      tpu.enqueue_dma source(%arg4 : memref<1xf32, #tpu.memory_space<hbm>>) target(%dma_start3A_28 : memref<1xf32, #tpu.memory_space<vmem>>) target_semaphore(%run_scoped3A : memref<!tpu.dma_semaphore, #tpu.memory_space<semaphore_mem>>)
      %dma_wait3A = arith.constant 0 : i32
      %dma_wait3A_29 = tpu.memref_slice %empty_ref3A[%dma_wait3A] : memref<16xf32, #tpu.memory_space<vmem>> -> memref<1xf32, #tpu.memory_space<vmem>>
      %dma_wait3A_30 = arith.constant 0 : i32
      %dma_wait3A_31 = tpu.memref_slice %empty_ref3A[%dma_wait3A_30] : memref<16xf32, #tpu.memory_space<vmem>> -> memref<1xf32, #tpu.memory_space<vmem>>
      tpu.wait_dma2 semaphore(%run_scoped3A : memref<!tpu.dma_semaphore, #tpu.memory_space<semaphore_mem>>) src(%arg4 : memref<1xf32, #tpu.memory_space<hbm>>) dst(%dma_wait3A_31 : memref<1xf32, #tpu.memory_space<vmem>>)
      tpu.yield
    }) : () -> ()
    %get3A = arith.constant 0 : index
    %get3A_0 = tpu.vector_load %empty_ref3A[%get3A] {strides = array<i32>} : memref<16xf32, #tpu.memory_space<vmem>>, vector<16xf32>,
    %get3A_1 = vector.shape_cast %get3A_0 : vector<16xf32> to vector<16xf32>
    %slice3A = vector.extract_strided_slice %get3A_1 {offsets = [0], sizes = [1], strides = [1]} : vector<16xf32> to vector<1xf32>
    %squeeze3A = vector.extract %slice3A[0] : f32 from vector<1xf32>
    %mul3A = arith.constant 2 : i32
    %mul3A_2 = arith.muli %arg1, %mul3A : i32
    %add3A = arith.addi %mul3A_2, %arg0 : i32
    %mul3A_3 = arith.constant 512 : i32
    %mul3A_4 = arith.muli %add3A, %mul3A_3 : i32
    %ge3A = arith.constant 0 : i32
    %ge3A_5 = arith.constant 64 : i32
    %ge3A_6 = arith.cmpi sge, %ge3A, %ge3A_5 : i32
    %convert_element_type3A = arith.extui %ge3A_6 : i1 to i32
    %mul3A_7 = arith.constant 64 : i32
    %mul3A_8 = arith.muli %convert_element_type3A, %mul3A_7 : i32
    %sub3A = arith.constant 0 : i32
    %sub3A_9 = arith.subi %sub3A, %mul3A_8 : i32
    %mul3A_10 = arith.constant 819200 : i32
    %mul3A_11 = arith.muli %convert_element_type3A, %mul3A_10 : i32
    %mul3A_12 = arith.constant 8 : i32
    %mul3A_13 = arith.muli %sub3A_9, %mul3A_12 : i32
    %add3A_14 = arith.addi %mul3A_4, %mul3A_13 : i32
    %mul3A_15 = arith.constant 50 : i32
    %mul3A_16 = arith.muli %add3A_14, %mul3A_15 : i32
    %add3A_17 = arith.addi %mul3A_11, %mul3A_16 : i32
    "tpu.region"() ({
      %run_scoped3A = tpu.sem_alloc : memref<!tpu.dma_semaphore, #tpu.memory_space<semaphore_mem>>
      %dma_start3A_25 = tpu.memref_slice %arg2[%add3A_17] : memref<1638400xi32, #tpu.memory_space<hbm>> -> memref<400xi32, #tpu.memory_space<hbm>>
      %dma_start3A_26 = tpu.memref_slice %arg2[%add3A_17] : memref<1638400xi32, #tpu.memory_space<hbm>> -> memref<400xi32, #tpu.memory_space<hbm>>
      tpu.enqueue_dma source(%dma_start3A_26 : memref<400xi32, #tpu.memory_space<hbm>>) target(%arg6 : memref<400xi32, #tpu.memory_space<vmem>>) target_semaphore(%run_scoped3A : memref<!tpu.dma_semaphore, #tpu.memory_space<semaphore_mem>>)
      %dma_wait3A = tpu.memref_slice %arg2[%add3A_17] : memref<1638400xi32, #tpu.memory_space<hbm>> -> memref<400xi32, #tpu.memory_space<hbm>>
      %dma_wait3A_27 = tpu.memref_slice %arg2[%add3A_17] : memref<1638400xi32, #tpu.memory_space<hbm>> -> memref<400xi32, #tpu.memory_space<hbm>>
      tpu.wait_dma2 semaphore(%run_scoped3A : memref<!tpu.dma_semaphore, #tpu.memory_space<semaphore_mem>>) src(%dma_wait3A_27 : memref<400xi32, #tpu.memory_space<hbm>>) dst(%arg6 : memref<400xi32, #tpu.memory_space<vmem>>)
      tpu.yield
    }) : () -> ()
    %dma_start3A = arith.constant 0 : i32
    %dma_start3A_18 = arith.constant 0 : i32
    %dma_start3A_19 = tpu.memref_slice %arg3[%dma_start3A, %dma_start3A_18] : memref<1001472x64xf32, #tpu.memory_space<hbm>> -> memref<1001472x64xf32, #tpu.memory_space<hbm>>
    tpu.enqueue_indirect_dma source(%dma_start3A_19 : memref<1001472x64xf32, #tpu.memory_space<hbm>>) target(%arg8 : memref<400x64xf32, #tpu.memory_space<vmem>>) offsets(%arg6 : memref<400xi32, #tpu.memory_space<vmem>>) semaphore(%arg11 : memref<!tpu.dma_semaphore, #tpu.memory_space<semaphore_mem>>)
    %scan3A = arith.constant 0 : i32
    %scan3A_20 = arith.constant 0 : i32
    %scan3A_21 = arith.constant 64 : i32
    %scan3A_22 = arith.addi %scan3A_20, %scan3A_21 : i32
    %scan3A_23 = arith.constant 1 : i32
    scf.for %scan3A_25 = %scan3A_20 to %scan3A_22 step %scan3A_23  : i32 {
      %mul3A_26 = arith.constant 2 : i32
      %mul3A_27 = arith.muli %scan3A_25, %mul3A_26 : i32
      %add3A_28 = arith.constant 0 : i32
      %add3A_29 = arith.addi %mul3A_27, %add3A_28 : i32
      %add3A_30 = arith.constant 1 : i32
      %add3A_31 = arith.addi %add3A_29, %add3A_30 : i32
      %lt3A = arith.constant 128 : i32
      %lt3A_32 = arith.cmpi slt, %add3A_31, %lt3A : i32
      %convert_element_type3A_33 = arith.extui %lt3A_32 : i1 to i32
      %cond3A = arith.constant 0 : i32
      %cond3A_34 = arith.cmpi ne, %convert_element_type3A_33, %cond3A : i32
      scf.if %cond3A_34 {
        %add3A_711 = arith.constant 1 : i32
        %add3A_712 = arith.addi %add3A_29, %add3A_711 : i32
        %ge3A_713 = arith.constant 64 : i32
        %ge3A_714 = arith.cmpi sge, %add3A_712, %ge3A_713 : i32
        %convert_element_type3A_715 = arith.extui %ge3A_714 : i1 to i32
        %mul3A_716 = arith.constant 64 : i32
        %mul3A_717 = arith.muli %convert_element_type3A_715, %mul3A_716 : i32
        %sub3A_718 = arith.subi %add3A_712, %mul3A_717 : i32
        %mul3A_719 = arith.constant 819200 : i32
        %mul3A_720 = arith.muli %convert_element_type3A_715, %mul3A_719 : i32
        %mul3A_721 = arith.constant 8 : i32
        %mul3A_722 = arith.muli %sub3A_718, %mul3A_721 : i32
        %add3A_723 = arith.addi %mul3A_4, %mul3A_722 : i32
        %mul3A_724 = arith.constant 50 : i32
        %mul3A_725 = arith.muli %add3A_723, %mul3A_724 : i32
        %add3A_726 = arith.addi %mul3A_720, %mul3A_725 : i32
        "tpu.region"() ({
          %run_scoped3A = tpu.sem_alloc : memref<!tpu.dma_semaphore, #tpu.memory_space<semaphore_mem>>
          %dma_start3A_730 = tpu.memref_slice %arg2[%add3A_726] : memref<1638400xi32, #tpu.memory_space<hbm>> -> memref<400xi32, #tpu.memory_space<hbm>>
          %dma_start3A_731 = tpu.memref_slice %arg2[%add3A_726] : memref<1638400xi32, #tpu.memory_space<hbm>> -> memref<400xi32, #tpu.memory_space<hbm>>
          tpu.enqueue_dma source(%dma_start3A_731 : memref<400xi32, #tpu.memory_space<hbm>>) target(%arg7 : memref<400xi32, #tpu.memory_space<vmem>>) target_semaphore(%run_scoped3A : memref<!tpu.dma_semaphore, #tpu.memory_space<semaphore_mem>>)
          %dma_wait3A_732 = tpu.memref_slice %arg2[%add3A_726] : memref<1638400xi32, #tpu.memory_space<hbm>> -> memref<400xi32, #tpu.memory_space<hbm>>
          %dma_wait3A_733 = tpu.memref_slice %arg2[%add3A_726] : memref<1638400xi32, #tpu.memory_space<hbm>> -> memref<400xi32, #tpu.memory_space<hbm>>
          tpu.wait_dma2 semaphore(%run_scoped3A : memref<!tpu.dma_semaphore, #tpu.memory_space<semaphore_mem>>) src(%dma_wait3A_733 : memref<400xi32, #tpu.memory_space<hbm>>) dst(%arg7 : memref<400xi32, #tpu.memory_space<vmem>>)
          tpu.yield
        }) : () -> ()
        %dma_start3A_727 = arith.constant 0 : i32
        %dma_start3A_728 = arith.constant 0 : i32
        %dma_start3A_729 = tpu.memref_slice %arg3[%dma_start3A_727, %dma_start3A_728] : memref<1001472x64xf32, #tpu.memory_space<hbm>> -> memref<1001472x64xf32, #tpu.memory_space<hbm>>
        tpu.enqueue_indirect_dma source(%dma_start3A_729 : memref<1001472x64xf32, #tpu.memory_space<hbm>>) target(%arg9 : memref<400x64xf32, #tpu.memory_space<vmem>>) offsets(%arg7 : memref<400xi32, #tpu.memory_space<vmem>>) semaphore(%arg12 : memref<!tpu.dma_semaphore, #tpu.memory_space<semaphore_mem>>)
      } else {
      }
      %dma_wait3A = arith.constant 0 : i32
      %dma_wait3A_35 = arith.constant 0 : i32
      %dma_wait3A_36 = tpu.memref_slice %arg3[%dma_wait3A, %dma_wait3A_35] : memref<1001472x64xf32, #tpu.memory_space<hbm>> -> memref<1001472x64xf32, #tpu.memory_space<hbm>>
      tpu.wait_indirect_dma semaphore(%arg11 : memref<!tpu.dma_semaphore, #tpu.memory_space<semaphore_mem>>) src(%dma_wait3A_36 : memref<1001472x64xf32, #tpu.memory_space<hbm>>) dst(%arg8 : memref<400x64xf32, #tpu.memory_space<vmem>>)
      %broadcast_in_dim3A = arith.constant 0.000000e+00 : f32
      %broadcast_in_dim3A_37 = vector.broadcast %broadcast_in_dim3A : f32 to vector<16xf32>
      %scan3A_38 = arith.constant 0 : i32
      %scan3A_39 = arith.constant 50 : i32
      %scan3A_40 = arith.addi %scan3A_38, %scan3A_39 : i32
      %scan3A_41 = arith.constant 1 : i32
      %scan3A_42:4 = scf.for %scan3A_711 = %scan3A_38 to %scan3A_40 step %scan3A_41 iter_args(%scan3A_712 = %broadcast_in_dim3A_37, %scan3A_713 = %broadcast_in_dim3A_37, %scan3A_714 = %broadcast_in_dim3A_37, %scan3A_715 = %broadcast_in_dim3A_37) -> (vector<16xf32>, vector<16xf32>, vector<16xf32>, vector<16xf32>)  : i32 {
        %add3A_716 = arith.constant 0 : i32
        %add3A_717 = arith.addi %add3A_716, %scan3A_711 : i32
        %get3A_718 = arith.index_cast %add3A_717 : i32 to index
        %get3A_719 = arith.constant 0 : index
        %get3A_720 = tpu.vector_load %arg8[%get3A_718, %get3A_719] {strides = array<i32>} : memref<400x64xf32, #tpu.memory_space<vmem>>, vector<1x16xf32>,
        %get3A_721 = vector.shape_cast %get3A_720 : vector<1x16xf32> to vector<16xf32>
        %add3A_722 = arith.addf %scan3A_712, %get3A_721 : vector<16xf32>
        %get3A_723 = arith.index_cast %add3A_717 : i32 to index
        %get3A_724 = arith.constant 16 : index
        %get3A_725 = tpu.vector_load %arg8[%get3A_723, %get3A_724] {strides = array<i32>} : memref<400x64xf32, #tpu.memory_space<vmem>>, vector<1x16xf32>,
        %get3A_726 = vector.shape_cast %get3A_725 : vector<1x16xf32> to vector<16xf32>
        %add3A_727 = arith.addf %scan3A_713, %get3A_726 : vector<16xf32>
        %get3A_728 = arith.index_cast %add3A_717 : i32 to index
        %get3A_729 = arith.constant 32 : index
        %get3A_730 = tpu.vector_load %arg8[%get3A_728, %get3A_729] {strides = array<i32>} : memref<400x64xf32, #tpu.memory_space<vmem>>, vector<1x16xf32>,
        %get3A_731 = vector.shape_cast %get3A_730 : vector<1x16xf32> to vector<16xf32>
        %add3A_732 = arith.addf %scan3A_714, %get3A_731 : vector<16xf32>
        %get3A_733 = arith.index_cast %add3A_717 : i32 to index
        %get3A_734 = arith.constant 48 : index
        %get3A_735 = tpu.vector_load %arg8[%get3A_733, %get3A_734] {strides = array<i32>} : memref<400x64xf32, #tpu.memory_space<vmem>>, vector<1x16xf32>,
        %get3A_736 = vector.shape_cast %get3A_735 : vector<1x16xf32> to vector<16xf32>
        %add3A_737 = arith.addf %scan3A_715, %get3A_736 : vector<16xf32>
        scf.yield %add3A_722, %add3A_727, %add3A_732, %add3A_737 : vector<16xf32>, vector<16xf32>, vector<16xf32>, vector<16xf32>
      }
      %scan3A_43 = arith.constant 50 : i32
      %mul3A_44 = vector.broadcast %squeeze3A : f32 to vector<16xf32>
      %mul3A_45 = arith.mulf %scan3A_42#0, %mul3A_44 : vector<16xf32>
      %swap3A = arith.constant 0 : i32
      %swap3A_46 = arith.index_cast %swap3A : i32 to index
      %swap3A_47 = arith.constant 0 : index
      %swap3A_48 = tpu.vector_load %arg10[%swap3A_46, %swap3A_47] {strides = array<i32>} : memref<8x64xf32, #tpu.memory_space<vmem>>, vector<1x16xf32>,
      %swap3A_49 = vector.shape_cast %swap3A_48 : vector<1x16xf32> to vector<16xf32>
      %swap3A_50 = vector.shape_cast %mul3A_45 : vector<16xf32> to vector<1x16xf32>
      tpu.vector_store %arg10[%swap3A_46, %swap3A_47], %swap3A_50 {strides = array<i32>} : memref<8x64xf32, #tpu.memory_space<vmem>>, vector<1x16xf32>,
      %mul3A_51 = vector.broadcast %squeeze3A : f32 to vector<16xf32>
      %mul3A_52 = arith.mulf %scan3A_42#1, %mul3A_51 : vector<16xf32>
      %swap3A_53 = arith.constant 0 : i32
      %swap3A_54 = arith.index_cast %swap3A_53 : i32 to index
      %swap3A_55 = arith.constant 16 : index
      %swap3A_56 = tpu.vector_load %arg10[%swap3A_54, %swap3A_55] {strides = array<i32>} : memref<8x64xf32, #tpu.memory_space<vmem>>, vector<1x16xf32>,
      %swap3A_57 = vector.shape_cast %swap3A_56 : vector<1x16xf32> to vector<16xf32>
      %swap3A_58 = vector.shape_cast %mul3A_52 : vector<16xf32> to vector<1x16xf32>
      tpu.vector_store %arg10[%swap3A_54, %swap3A_55], %swap3A_58 {strides = array<i32>} : memref<8x64xf32, #tpu.memory_space<vmem>>, vector<1x16xf32>,
      %mul3A_59 = vector.broadcast %squeeze3A : f32 to vector<16xf32>
      %mul3A_60 = arith.mulf %scan3A_42#2, %mul3A_59 : vector<16xf32>
      %swap3A_61 = arith.constant 0 : i32
      %swap3A_62 = arith.index_cast %swap3A_61 : i32 to index
      %swap3A_63 = arith.constant 32 : index
      %swap3A_64 = tpu.vector_load %arg10[%swap3A_62, %swap3A_63] {strides = array<i32>} : memref<8x64xf32, #tpu.memory_space<vmem>>, vector<1x16xf32>,
      %swap3A_65 = vector.shape_cast %swap3A_64 : vector<1x16xf32> to vector<16xf32>
      %swap3A_66 = vector.shape_cast %mul3A_60 : vector<16xf32> to vector<1x16xf32>
      tpu.vector_store %arg10[%swap3A_62, %swap3A_63], %swap3A_66 {strides = array<i32>} : memref<8x64xf32, #tpu.memory_space<vmem>>, vector<1x16xf32>,
      %mul3A_67 = vector.broadcast %squeeze3A : f32 to vector<16xf32>
      %mul3A_68 = arith.mulf %scan3A_42#3, %mul3A_67 : vector<16xf32>
      %swap3A_69 = arith.constant 0 : i32
      %swap3A_70 = arith.index_cast %swap3A_69 : i32 to index
      %swap3A_71 = arith.constant 48 : index
      %swap3A_72 = tpu.vector_load %arg10[%swap3A_70, %swap3A_71] {strides = array<i32>} : memref<8x64xf32, #tpu.memory_space<vmem>>, vector<1x16xf32>,
      %swap3A_73 = vector.shape_cast %swap3A_72 : vector<1x16xf32> to vector<16xf32>
      %swap3A_74 = vector.shape_cast %mul3A_68 : vector<16xf32> to vector<1x16xf32>
      tpu.vector_store %arg10[%swap3A_70, %swap3A_71], %swap3A_74 {strides = array<i32>} : memref<8x64xf32, #tpu.memory_space<vmem>>, vector<1x16xf32>,
      %broadcast_in_dim3A_75 = arith.constant 0.000000e+00 : f32
      %broadcast_in_dim3A_76 = vector.broadcast %broadcast_in_dim3A_75 : f32 to vector<16xf32>
      %scan3A_77 = arith.constant 0 : i32
      %scan3A_78 = arith.constant 50 : i32
      %scan3A_79 = arith.addi %scan3A_77, %scan3A_78 : i32
      %scan3A_80 = arith.constant 1 : i32
      %scan3A_81:4 = scf.for %scan3A_711 = %scan3A_77 to %scan3A_79 step %scan3A_80 iter_args(%scan3A_712 = %broadcast_in_dim3A_76, %scan3A_713 = %broadcast_in_dim3A_76, %scan3A_714 = %broadcast_in_dim3A_76, %scan3A_715 = %broadcast_in_dim3A_76) -> (vector<16xf32>, vector<16xf32>, vector<16xf32>, vector<16xf32>)  : i32 {
        %add3A_716 = arith.constant 50 : i32
        %add3A_717 = arith.addi %add3A_716, %scan3A_711 : i32
        %get3A_718 = arith.index_cast %add3A_717 : i32 to index
        %get3A_719 = arith.constant 0 : index
        %get3A_720 = tpu.vector_load %arg8[%get3A_718, %get3A_719] {strides = array<i32>} : memref<400x64xf32, #tpu.memory_space<vmem>>, vector<1x16xf32>,
        %get3A_721 = vector.shape_cast %get3A_720 : vector<1x16xf32> to vector<16xf32>
        %add3A_722 = arith.addf %scan3A_712, %get3A_721 : vector<16xf32>
        %get3A_723 = arith.index_cast %add3A_717 : i32 to index
        %get3A_724 = arith.constant 16 : index
        %get3A_725 = tpu.vector_load %arg8[%get3A_723, %get3A_724] {strides = array<i32>} : memref<400x64xf32, #tpu.memory_space<vmem>>, vector<1x16xf32>,
        %get3A_726 = vector.shape_cast %get3A_725 : vector<1x16xf32> to vector<16xf32>
        %add3A_727 = arith.addf %scan3A_713, %get3A_726 : vector<16xf32>
        %get3A_728 = arith.index_cast %add3A_717 : i32 to index
        %get3A_729 = arith.constant 32 : index
        %get3A_730 = tpu.vector_load %arg8[%get3A_728, %get3A_729] {strides = array<i32>} : memref<400x64xf32, #tpu.memory_space<vmem>>, vector<1x16xf32>,
        %get3A_731 = vector.shape_cast %get3A_730 : vector<1x16xf32> to vector<16xf32>
        %add3A_732 = arith.addf %scan3A_714, %get3A_731 : vector<16xf32>
        %get3A_733 = arith.index_cast %add3A_717 : i32 to index
        %get3A_734 = arith.constant 48 : index
        %get3A_735 = tpu.vector_load %arg8[%get3A_733, %get3A_734] {strides = array<i32>} : memref<400x64xf32, #tpu.memory_space<vmem>>, vector<1x16xf32>,
        %get3A_736 = vector.shape_cast %get3A_735 : vector<1x16xf32> to vector<16xf32>
        %add3A_737 = arith.addf %scan3A_715, %get3A_736 : vector<16xf32>
        scf.yield %add3A_722, %add3A_727, %add3A_732, %add3A_737 : vector<16xf32>, vector<16xf32>, vector<16xf32>, vector<16xf32>
      }
      %scan3A_82 = arith.constant 50 : i32
      %mul3A_83 = vector.broadcast %squeeze3A : f32 to vector<16xf32>
      %mul3A_84 = arith.mulf %scan3A_81#0, %mul3A_83 : vector<16xf32>
      %swap3A_85 = arith.constant 1 : i32
      %swap3A_86 = arith.index_cast %swap3A_85 : i32 to index
      %swap3A_87 = arith.constant 0 : index
      %swap3A_88 = tpu.vector_load %arg10[%swap3A_86, %swap3A_87] {strides = array<i32>} : memref<8x64xf32, #tpu.memory_space<vmem>>, vector<1x16xf32>,
      %swap3A_89 = vector.shape_cast %swap3A_88 : vector<1x16xf32> to vector<16xf32>
      %swap3A_90 = vector.shape_cast %mul3A_84 : vector<16xf32> to vector<1x16xf32>
      tpu.vector_store %arg10[%swap3A_86, %swap3A_87], %swap3A_90 {strides = array<i32>} : memref<8x64xf32, #tpu.memory_space<vmem>>, vector<1x16xf32>,
      %mul3A_91 = vector.broadcast %squeeze3A : f32 to vector<16xf32>
      %mul3A_92 = arith.mulf %scan3A_81#1, %mul3A_91 : vector<16xf32>
      %swap3A_93 = arith.constant 1 : i32
      %swap3A_94 = arith.index_cast %swap3A_93 : i32 to index
      %swap3A_95 = arith.constant 16 : index
      %swap3A_96 = tpu.vector_load %arg10[%swap3A_94, %swap3A_95] {strides = array<i32>} : memref<8x64xf32, #tpu.memory_space<vmem>>, vector<1x16xf32>,
      %swap3A_97 = vector.shape_cast %swap3A_96 : vector<1x16xf32> to vector<16xf32>
      %swap3A_98 = vector.shape_cast %mul3A_92 : vector<16xf32> to vector<1x16xf32>
      tpu.vector_store %arg10[%swap3A_94, %swap3A_95], %swap3A_98 {strides = array<i32>} : memref<8x64xf32, #tpu.memory_space<vmem>>, vector<1x16xf32>,
      %mul3A_99 = vector.broadcast %squeeze3A : f32 to vector<16xf32>
      %mul3A_100 = arith.mulf %scan3A_81#2, %mul3A_99 : vector<16xf32>
      %swap3A_101 = arith.constant 1 : i32
      %swap3A_102 = arith.index_cast %swap3A_101 : i32 to index
      %swap3A_103 = arith.constant 32 : index
      %swap3A_104 = tpu.vector_load %arg10[%swap3A_102, %swap3A_103] {strides = array<i32>} : memref<8x64xf32, #tpu.memory_space<vmem>>, vector<1x16xf32>,
      %swap3A_105 = vector.shape_cast %swap3A_104 : vector<1x16xf32> to vector<16xf32>
      %swap3A_106 = vector.shape_cast %mul3A_100 : vector<16xf32> to vector<1x16xf32>
      tpu.vector_store %arg10[%swap3A_102, %swap3A_103], %swap3A_106 {strides = array<i32>} : memref<8x64xf32, #tpu.memory_space<vmem>>, vector<1x16xf32>,
      %mul3A_107 = vector.broadcast %squeeze3A : f32 to vector<16xf32>
      %mul3A_108 = arith.mulf %scan3A_81#3, %mul3A_107 : vector<16xf32>
      %swap3A_109 = arith.constant 1 : i32
      %swap3A_110 = arith.index_cast %swap3A_109 : i32 to index
      %swap3A_111 = arith.constant 48 : index
      %swap3A_112 = tpu.vector_load %arg10[%swap3A_110, %swap3A_111] {strides = array<i32>} : memref<8x64xf32, #tpu.memory_space<vmem>>, vector<1x16xf32>,
      %swap3A_113 = vector.shape_cast %swap3A_112 : vector<1x16xf32> to vector<16xf32>
      %swap3A_114 = vector.shape_cast %mul3A_108 : vector<16xf32> to vector<1x16xf32>
      tpu.vector_store %arg10[%swap3A_110, %swap3A_111], %swap3A_114 {strides = array<i32>} : memref<8x64xf32, #tpu.memory_space<vmem>>, vector<1x16xf32>,
      %broadcast_in_dim3A_115 = arith.constant 0.000000e+00 : f32
      %broadcast_in_dim3A_116 = vector.broadcast %broadcast_in_dim3A_115 : f32 to vector<16xf32>
      %scan3A_117 = arith.constant 0 : i32
      %scan3A_118 = arith.constant 50 : i32
      %scan3A_119 = arith.addi %scan3A_117, %scan3A_118 : i32
      %scan3A_120 = arith.constant 1 : i32
      %scan3A_121:4 = scf.for %scan3A_711 = %scan3A_117 to %scan3A_119 step %scan3A_120 iter_args(%scan3A_712 = %broadcast_in_dim3A_116, %scan3A_713 = %broadcast_in_dim3A_116, %scan3A_714 = %broadcast_in_dim3A_116, %scan3A_715 = %broadcast_in_dim3A_116) -> (vector<16xf32>, vector<16xf32>, vector<16xf32>, vector<16xf32>)  : i32 {
        %add3A_716 = arith.constant 100 : i32
        %add3A_717 = arith.addi %add3A_716, %scan3A_711 : i32
        %get3A_718 = arith.index_cast %add3A_717 : i32 to index
        %get3A_719 = arith.constant 0 : index
        %get3A_720 = tpu.vector_load %arg8[%get3A_718, %get3A_719] {strides = array<i32>} : memref<400x64xf32, #tpu.memory_space<vmem>>, vector<1x16xf32>,
        %get3A_721 = vector.shape_cast %get3A_720 : vector<1x16xf32> to vector<16xf32>
        %add3A_722 = arith.addf %scan3A_712, %get3A_721 : vector<16xf32>
        %get3A_723 = arith.index_cast %add3A_717 : i32 to index
        %get3A_724 = arith.constant 16 : index
        %get3A_725 = tpu.vector_load %arg8[%get3A_723, %get3A_724] {strides = array<i32>} : memref<400x64xf32, #tpu.memory_space<vmem>>, vector<1x16xf32>,
        %get3A_726 = vector.shape_cast %get3A_725 : vector<1x16xf32> to vector<16xf32>
        %add3A_727 = arith.addf %scan3A_713, %get3A_726 : vector<16xf32>
        %get3A_728 = arith.index_cast %add3A_717 : i32 to index
        %get3A_729 = arith.constant 32 : index
        %get3A_730 = tpu.vector_load %arg8[%get3A_728, %get3A_729] {strides = array<i32>} : memref<400x64xf32, #tpu.memory_space<vmem>>, vector<1x16xf32>,
        %get3A_731 = vector.shape_cast %get3A_730 : vector<1x16xf32> to vector<16xf32>
        %add3A_732 = arith.addf %scan3A_714, %get3A_731 : vector<16xf32>
        %get3A_733 = arith.index_cast %add3A_717 : i32 to index
        %get3A_734 = arith.constant 48 : index
        %get3A_735 = tpu.vector_load %arg8[%get3A_733, %get3A_734] {strides = array<i32>} : memref<400x64xf32, #tpu.memory_space<vmem>>, vector<1x16xf32>,
        %get3A_736 = vector.shape_cast %get3A_735 : vector<1x16xf32> to vector<16xf32>
        %add3A_737 = arith.addf %scan3A_715, %get3A_736 : vector<16xf32>
        scf.yield %add3A_722, %add3A_727, %add3A_732, %add3A_737 : vector<16xf32>, vector<16xf32>, vector<16xf32>, vector<16xf32>
      }
      %scan3A_122 = arith.constant 50 : i32
      %mul3A_123 = vector.broadcast %squeeze3A : f32 to vector<16xf32>
      %mul3A_124 = arith.mulf %scan3A_121#0, %mul3A_123 : vector<16xf32>
      %swap3A_125 = arith.constant 2 : i32
      %swap3A_126 = arith.index_cast %swap3A_125 : i32 to index
      %swap3A_127 = arith.constant 0 : index
      %swap3A_128 = tpu.vector_load %arg10[%swap3A_126, %swap3A_127] {strides = array<i32>} : memref<8x64xf32, #tpu.memory_space<vmem>>, vector<1x16xf32>,
      %swap3A_129 = vector.shape_cast %swap3A_128 : vector<1x16xf32> to vector<16xf32>
      %swap3A_130 = vector.shape_cast %mul3A_124 : vector<16xf32> to vector<1x16xf32>
      tpu.vector_store %arg10[%swap3A_126, %swap3A_127], %swap3A_130 {strides = array<i32>} : memref<8x64xf32, #tpu.memory_space<vmem>>, vector<1x16xf32>,
      %mul3A_131 = vector.broadcast %squeeze3A : f32 to vector<16xf32>
      %mul3A_132 = arith.mulf %scan3A_121#1, %mul3A_131 : vector<16xf32>
      %swap3A_133 = arith.constant 2 : i32
      %swap3A_134 = arith.index_cast %swap3A_133 : i32 to index
      %swap3A_135 = arith.constant 16 : index
      %swap3A_136 = tpu.vector_load %arg10[%swap3A_134, %swap3A_135] {strides = array<i32>} : memref<8x64xf32, #tpu.memory_space<vmem>>, vector<1x16xf32>,
      %swap3A_137 = vector.shape_cast %swap3A_136 : vector<1x16xf32> to vector<16xf32>
      %swap3A_138 = vector.shape_cast %mul3A_132 : vector<16xf32> to vector<1x16xf32>
      tpu.vector_store %arg10[%swap3A_134, %swap3A_135], %swap3A_138 {strides = array<i32>} : memref<8x64xf32, #tpu.memory_space<vmem>>, vector<1x16xf32>,
      %mul3A_139 = vector.broadcast %squeeze3A : f32 to vector<16xf32>
      %mul3A_140 = arith.mulf %scan3A_121#2, %mul3A_139 : vector<16xf32>
      %swap3A_141 = arith.constant 2 : i32
      %swap3A_142 = arith.index_cast %swap3A_141 : i32 to index
      %swap3A_143 = arith.constant 32 : index
      %swap3A_144 = tpu.vector_load %arg10[%swap3A_142, %swap3A_143] {strides = array<i32>} : memref<8x64xf32, #tpu.memory_space<vmem>>, vector<1x16xf32>,
      %swap3A_145 = vector.shape_cast %swap3A_144 : vector<1x16xf32> to vector<16xf32>
      %swap3A_146 = vector.shape_cast %mul3A_140 : vector<16xf32> to vector<1x16xf32>
      tpu.vector_store %arg10[%swap3A_142, %swap3A_143], %swap3A_146 {strides = array<i32>} : memref<8x64xf32, #tpu.memory_space<vmem>>, vector<1x16xf32>,
      %mul3A_147 = vector.broadcast %squeeze3A : f32 to vector<16xf32>
      %mul3A_148 = arith.mulf %scan3A_121#3, %mul3A_147 : vector<16xf32>
      %swap3A_149 = arith.constant 2 : i32
      %swap3A_150 = arith.index_cast %swap3A_149 : i32 to index
      %swap3A_151 = arith.constant 48 : index
      %swap3A_152 = tpu.vector_load %arg10[%swap3A_150, %swap3A_151] {strides = array<i32>} : memref<8x64xf32, #tpu.memory_space<vmem>>, vector<1x16xf32>,
      %swap3A_153 = vector.shape_cast %swap3A_152 : vector<1x16xf32> to vector<16xf32>
      %swap3A_154 = vector.shape_cast %mul3A_148 : vector<16xf32> to vector<1x16xf32>
      tpu.vector_store %arg10[%swap3A_150, %swap3A_151], %swap3A_154 {strides = array<i32>} : memref<8x64xf32, #tpu.memory_space<vmem>>, vector<1x16xf32>,
      %broadcast_in_dim3A_155 = arith.constant 0.000000e+00 : f32
      %broadcast_in_dim3A_156 = vector.broadcast %broadcast_in_dim3A_155 : f32 to vector<16xf32>
      %scan3A_157 = arith.constant 0 : i32
      %scan3A_158 = arith.constant 50 : i32
      %scan3A_159 = arith.addi %scan3A_157, %scan3A_158 : i32
      %scan3A_160 = arith.constant 1 : i32
      %scan3A_161:4 = scf.for %scan3A_711 = %scan3A_157 to %scan3A_159 step %scan3A_160 iter_args(%scan3A_712 = %broadcast_in_dim3A_156, %scan3A_713 = %broadcast_in_dim3A_156, %scan3A_714 = %broadcast_in_dim3A_156, %scan3A_715 = %broadcast_in_dim3A_156) -> (vector<16xf32>, vector<16xf32>, vector<16xf32>, vector<16xf32>)  : i32 {
        %add3A_716 = arith.constant 150 : i32
        %add3A_717 = arith.addi %add3A_716, %scan3A_711 : i32
        %get3A_718 = arith.index_cast %add3A_717 : i32 to index
        %get3A_719 = arith.constant 0 : index
        %get3A_720 = tpu.vector_load %arg8[%get3A_718, %get3A_719] {strides = array<i32>} : memref<400x64xf32, #tpu.memory_space<vmem>>, vector<1x16xf32>,
        %get3A_721 = vector.shape_cast %get3A_720 : vector<1x16xf32> to vector<16xf32>
        %add3A_722 = arith.addf %scan3A_712, %get3A_721 : vector<16xf32>
        %get3A_723 = arith.index_cast %add3A_717 : i32 to index
        %get3A_724 = arith.constant 16 : index
        %get3A_725 = tpu.vector_load %arg8[%get3A_723, %get3A_724] {strides = array<i32>} : memref<400x64xf32, #tpu.memory_space<vmem>>, vector<1x16xf32>,
        %get3A_726 = vector.shape_cast %get3A_725 : vector<1x16xf32> to vector<16xf32>
        %add3A_727 = arith.addf %scan3A_713, %get3A_726 : vector<16xf32>
        %get3A_728 = arith.index_cast %add3A_717 : i32 to index
        %get3A_729 = arith.constant 32 : index
        %get3A_730 = tpu.vector_load %arg8[%get3A_728, %get3A_729] {strides = array<i32>} : memref<400x64xf32, #tpu.memory_space<vmem>>, vector<1x16xf32>,
        %get3A_731 = vector.shape_cast %get3A_730 : vector<1x16xf32> to vector<16xf32>
        %add3A_732 = arith.addf %scan3A_714, %get3A_731 : vector<16xf32>
        %get3A_733 = arith.index_cast %add3A_717 : i32 to index
        %get3A_734 = arith.constant 48 : index
        %get3A_735 = tpu.vector_load %arg8[%get3A_733, %get3A_734] {strides = array<i32>} : memref<400x64xf32, #tpu.memory_space<vmem>>, vector<1x16xf32>,
        %get3A_736 = vector.shape_cast %get3A_735 : vector<1x16xf32> to vector<16xf32>
        %add3A_737 = arith.addf %scan3A_715, %get3A_736 : vector<16xf32>
        scf.yield %add3A_722, %add3A_727, %add3A_732, %add3A_737 : vector<16xf32>, vector<16xf32>, vector<16xf32>, vector<16xf32>
      }
      %scan3A_162 = arith.constant 50 : i32
      %mul3A_163 = vector.broadcast %squeeze3A : f32 to vector<16xf32>
      %mul3A_164 = arith.mulf %scan3A_161#0, %mul3A_163 : vector<16xf32>
      %swap3A_165 = arith.constant 3 : i32
      %swap3A_166 = arith.index_cast %swap3A_165 : i32 to index
      %swap3A_167 = arith.constant 0 : index
      %swap3A_168 = tpu.vector_load %arg10[%swap3A_166, %swap3A_167] {strides = array<i32>} : memref<8x64xf32, #tpu.memory_space<vmem>>, vector<1x16xf32>,
      %swap3A_169 = vector.shape_cast %swap3A_168 : vector<1x16xf32> to vector<16xf32>
      %swap3A_170 = vector.shape_cast %mul3A_164 : vector<16xf32> to vector<1x16xf32>
      tpu.vector_store %arg10[%swap3A_166, %swap3A_167], %swap3A_170 {strides = array<i32>} : memref<8x64xf32, #tpu.memory_space<vmem>>, vector<1x16xf32>,
      %mul3A_171 = vector.broadcast %squeeze3A : f32 to vector<16xf32>
      %mul3A_172 = arith.mulf %scan3A_161#1, %mul3A_171 : vector<16xf32>
      %swap3A_173 = arith.constant 3 : i32
      %swap3A_174 = arith.index_cast %swap3A_173 : i32 to index
      %swap3A_175 = arith.constant 16 : index
      %swap3A_176 = tpu.vector_load %arg10[%swap3A_174, %swap3A_175] {strides = array<i32>} : memref<8x64xf32, #tpu.memory_space<vmem>>, vector<1x16xf32>,
      %swap3A_177 = vector.shape_cast %swap3A_176 : vector<1x16xf32> to vector<16xf32>
      %swap3A_178 = vector.shape_cast %mul3A_172 : vector<16xf32> to vector<1x16xf32>
      tpu.vector_store %arg10[%swap3A_174, %swap3A_175], %swap3A_178 {strides = array<i32>} : memref<8x64xf32, #tpu.memory_space<vmem>>, vector<1x16xf32>,
      %mul3A_179 = vector.broadcast %squeeze3A : f32 to vector<16xf32>
      %mul3A_180 = arith.mulf %scan3A_161#2, %mul3A_179 : vector<16xf32>
      %swap3A_181 = arith.constant 3 : i32
      %swap3A_182 = arith.index_cast %swap3A_181 : i32 to index
      %swap3A_183 = arith.constant 32 : index
      %swap3A_184 = tpu.vector_load %arg10[%swap3A_182, %swap3A_183] {strides = array<i32>} : memref<8x64xf32, #tpu.memory_space<vmem>>, vector<1x16xf32>,
      %swap3A_185 = vector.shape_cast %swap3A_184 : vector<1x16xf32> to vector<16xf32>
      %swap3A_186 = vector.shape_cast %mul3A_180 : vector<16xf32> to vector<1x16xf32>
      tpu.vector_store %arg10[%swap3A_182, %swap3A_183], %swap3A_186 {strides = array<i32>} : memref<8x64xf32, #tpu.memory_space<vmem>>, vector<1x16xf32>,
      %mul3A_187 = vector.broadcast %squeeze3A : f32 to vector<16xf32>
      %mul3A_188 = arith.mulf %scan3A_161#3, %mul3A_187 : vector<16xf32>
      %swap3A_189 = arith.constant 3 : i32
      %swap3A_190 = arith.index_cast %swap3A_189 : i32 to index
      %swap3A_191 = arith.constant 48 : index
      %swap3A_192 = tpu.vector_load %arg10[%swap3A_190, %swap3A_191] {strides = array<i32>} : memref<8x64xf32, #tpu.memory_space<vmem>>, vector<1x16xf32>,
      %swap3A_193 = vector.shape_cast %swap3A_192 : vector<1x16xf32> to vector<16xf32>
      %swap3A_194 = vector.shape_cast %mul3A_188 : vector<16xf32> to vector<1x16xf32>
      tpu.vector_store %arg10[%swap3A_190, %swap3A_191], %swap3A_194 {strides = array<i32>} : memref<8x64xf32, #tpu.memory_space<vmem>>, vector<1x16xf32>,
      %broadcast_in_dim3A_195 = arith.constant 0.000000e+00 : f32
      %broadcast_in_dim3A_196 = vector.broadcast %broadcast_in_dim3A_195 : f32 to vector<16xf32>
      %scan3A_197 = arith.constant 0 : i32
      %scan3A_198 = arith.constant 50 : i32
      %scan3A_199 = arith.addi %scan3A_197, %scan3A_198 : i32
      %scan3A_200 = arith.constant 1 : i32
      %scan3A_201:4 = scf.for %scan3A_711 = %scan3A_197 to %scan3A_199 step %scan3A_200 iter_args(%scan3A_712 = %broadcast_in_dim3A_196, %scan3A_713 = %broadcast_in_dim3A_196, %scan3A_714 = %broadcast_in_dim3A_196, %scan3A_715 = %broadcast_in_dim3A_196) -> (vector<16xf32>, vector<16xf32>, vector<16xf32>, vector<16xf32>)  : i32 {
        %add3A_716 = arith.constant 200 : i32
        %add3A_717 = arith.addi %add3A_716, %scan3A_711 : i32
        %get3A_718 = arith.index_cast %add3A_717 : i32 to index
        %get3A_719 = arith.constant 0 : index
        %get3A_720 = tpu.vector_load %arg8[%get3A_718, %get3A_719] {strides = array<i32>} : memref<400x64xf32, #tpu.memory_space<vmem>>, vector<1x16xf32>,
        %get3A_721 = vector.shape_cast %get3A_720 : vector<1x16xf32> to vector<16xf32>
        %add3A_722 = arith.addf %scan3A_712, %get3A_721 : vector<16xf32>
        %get3A_723 = arith.index_cast %add3A_717 : i32 to index
        %get3A_724 = arith.constant 16 : index
        %get3A_725 = tpu.vector_load %arg8[%get3A_723, %get3A_724] {strides = array<i32>} : memref<400x64xf32, #tpu.memory_space<vmem>>, vector<1x16xf32>,
        %get3A_726 = vector.shape_cast %get3A_725 : vector<1x16xf32> to vector<16xf32>
        %add3A_727 = arith.addf %scan3A_713, %get3A_726 : vector<16xf32>
        %get3A_728 = arith.index_cast %add3A_717 : i32 to index
        %get3A_729 = arith.constant 32 : index
        %get3A_730 = tpu.vector_load %arg8[%get3A_728, %get3A_729] {strides = array<i32>} : memref<400x64xf32, #tpu.memory_space<vmem>>, vector<1x16xf32>,
        %get3A_731 = vector.shape_cast %get3A_730 : vector<1x16xf32> to vector<16xf32>
        %add3A_732 = arith.addf %scan3A_714, %get3A_731 : vector<16xf32>
        %get3A_733 = arith.index_cast %add3A_717 : i32 to index
        %get3A_734 = arith.constant 48 : index
        %get3A_735 = tpu.vector_load %arg8[%get3A_733, %get3A_734] {strides = array<i32>} : memref<400x64xf32, #tpu.memory_space<vmem>>, vector<1x16xf32>,
        %get3A_736 = vector.shape_cast %get3A_735 : vector<1x16xf32> to vector<16xf32>
        %add3A_737 = arith.addf %scan3A_715, %get3A_736 : vector<16xf32>
        scf.yield %add3A_722, %add3A_727, %add3A_732, %add3A_737 : vector<16xf32>, vector<16xf32>, vector<16xf32>, vector<16xf32>
      }
      %scan3A_202 = arith.constant 50 : i32
      %mul3A_203 = vector.broadcast %squeeze3A : f32 to vector<16xf32>
      %mul3A_204 = arith.mulf %scan3A_201#0, %mul3A_203 : vector<16xf32>
      %swap3A_205 = arith.constant 4 : i32
      %swap3A_206 = arith.index_cast %swap3A_205 : i32 to index
      %swap3A_207 = arith.constant 0 : index
      %swap3A_208 = tpu.vector_load %arg10[%swap3A_206, %swap3A_207] {strides = array<i32>} : memref<8x64xf32, #tpu.memory_space<vmem>>, vector<1x16xf32>,
      %swap3A_209 = vector.shape_cast %swap3A_208 : vector<1x16xf32> to vector<16xf32>
      %swap3A_210 = vector.shape_cast %mul3A_204 : vector<16xf32> to vector<1x16xf32>
      tpu.vector_store %arg10[%swap3A_206, %swap3A_207], %swap3A_210 {strides = array<i32>} : memref<8x64xf32, #tpu.memory_space<vmem>>, vector<1x16xf32>,
      %mul3A_211 = vector.broadcast %squeeze3A : f32 to vector<16xf32>
      %mul3A_212 = arith.mulf %scan3A_201#1, %mul3A_211 : vector<16xf32>
      %swap3A_213 = arith.constant 4 : i32
      %swap3A_214 = arith.index_cast %swap3A_213 : i32 to index
      %swap3A_215 = arith.constant 16 : index
      %swap3A_216 = tpu.vector_load %arg10[%swap3A_214, %swap3A_215] {strides = array<i32>} : memref<8x64xf32, #tpu.memory_space<vmem>>, vector<1x16xf32>,
      %swap3A_217 = vector.shape_cast %swap3A_216 : vector<1x16xf32> to vector<16xf32>
      %swap3A_218 = vector.shape_cast %mul3A_212 : vector<16xf32> to vector<1x16xf32>
      tpu.vector_store %arg10[%swap3A_214, %swap3A_215], %swap3A_218 {strides = array<i32>} : memref<8x64xf32, #tpu.memory_space<vmem>>, vector<1x16xf32>,
      %mul3A_219 = vector.broadcast %squeeze3A : f32 to vector<16xf32>
      %mul3A_220 = arith.mulf %scan3A_201#2, %mul3A_219 : vector<16xf32>
      %swap3A_221 = arith.constant 4 : i32
      %swap3A_222 = arith.index_cast %swap3A_221 : i32 to index
      %swap3A_223 = arith.constant 32 : index
      %swap3A_224 = tpu.vector_load %arg10[%swap3A_222, %swap3A_223] {strides = array<i32>} : memref<8x64xf32, #tpu.memory_space<vmem>>, vector<1x16xf32>,
      %swap3A_225 = vector.shape_cast %swap3A_224 : vector<1x16xf32> to vector<16xf32>
      %swap3A_226 = vector.shape_cast %mul3A_220 : vector<16xf32> to vector<1x16xf32>
      tpu.vector_store %arg10[%swap3A_222, %swap3A_223], %swap3A_226 {strides = array<i32>} : memref<8x64xf32, #tpu.memory_space<vmem>>, vector<1x16xf32>,
      %mul3A_227 = vector.broadcast %squeeze3A : f32 to vector<16xf32>
      %mul3A_228 = arith.mulf %scan3A_201#3, %mul3A_227 : vector<16xf32>
      %swap3A_229 = arith.constant 4 : i32
      %swap3A_230 = arith.index_cast %swap3A_229 : i32 to index
      %swap3A_231 = arith.constant 48 : index
      %swap3A_232 = tpu.vector_load %arg10[%swap3A_230, %swap3A_231] {strides = array<i32>} : memref<8x64xf32, #tpu.memory_space<vmem>>, vector<1x16xf32>,
      %swap3A_233 = vector.shape_cast %swap3A_232 : vector<1x16xf32> to vector<16xf32>
      %swap3A_234 = vector.shape_cast %mul3A_228 : vector<16xf32> to vector<1x16xf32>
      tpu.vector_store %arg10[%swap3A_230, %swap3A_231], %swap3A_234 {strides = array<i32>} : memref<8x64xf32, #tpu.memory_space<vmem>>, vector<1x16xf32>,
      %broadcast_in_dim3A_235 = arith.constant 0.000000e+00 : f32
      %broadcast_in_dim3A_236 = vector.broadcast %broadcast_in_dim3A_235 : f32 to vector<16xf32>
      %scan3A_237 = arith.constant 0 : i32
      %scan3A_238 = arith.constant 50 : i32
      %scan3A_239 = arith.addi %scan3A_237, %scan3A_238 : i32
      %scan3A_240 = arith.constant 1 : i32
      %scan3A_241:4 = scf.for %scan3A_711 = %scan3A_237 to %scan3A_239 step %scan3A_240 iter_args(%scan3A_712 = %broadcast_in_dim3A_236, %scan3A_713 = %broadcast_in_dim3A_236, %scan3A_714 = %broadcast_in_dim3A_236, %scan3A_715 = %broadcast_in_dim3A_236) -> (vector<16xf32>, vector<16xf32>, vector<16xf32>, vector<16xf32>)  : i32 {
        %add3A_716 = arith.constant 250 : i32
        %add3A_717 = arith.addi %add3A_716, %scan3A_711 : i32
        %get3A_718 = arith.index_cast %add3A_717 : i32 to index
        %get3A_719 = arith.constant 0 : index
        %get3A_720 = tpu.vector_load %arg8[%get3A_718, %get3A_719] {strides = array<i32>} : memref<400x64xf32, #tpu.memory_space<vmem>>, vector<1x16xf32>,
        %get3A_721 = vector.shape_cast %get3A_720 : vector<1x16xf32> to vector<16xf32>
        %add3A_722 = arith.addf %scan3A_712, %get3A_721 : vector<16xf32>
        %get3A_723 = arith.index_cast %add3A_717 : i32 to index
        %get3A_724 = arith.constant 16 : index
        %get3A_725 = tpu.vector_load %arg8[%get3A_723, %get3A_724] {strides = array<i32>} : memref<400x64xf32, #tpu.memory_space<vmem>>, vector<1x16xf32>,
        %get3A_726 = vector.shape_cast %get3A_725 : vector<1x16xf32> to vector<16xf32>
        %add3A_727 = arith.addf %scan3A_713, %get3A_726 : vector<16xf32>
        %get3A_728 = arith.index_cast %add3A_717 : i32 to index
        %get3A_729 = arith.constant 32 : index
        %get3A_730 = tpu.vector_load %arg8[%get3A_728, %get3A_729] {strides = array<i32>} : memref<400x64xf32, #tpu.memory_space<vmem>>, vector<1x16xf32>,
        %get3A_731 = vector.shape_cast %get3A_730 : vector<1x16xf32> to vector<16xf32>
        %add3A_732 = arith.addf %scan3A_714, %get3A_731 : vector<16xf32>
        %get3A_733 = arith.index_cast %add3A_717 : i32 to index
        %get3A_734 = arith.constant 48 : index
        %get3A_735 = tpu.vector_load %arg8[%get3A_733, %get3A_734] {strides = array<i32>} : memref<400x64xf32, #tpu.memory_space<vmem>>, vector<1x16xf32>,
        %get3A_736 = vector.shape_cast %get3A_735 : vector<1x16xf32> to vector<16xf32>
        %add3A_737 = arith.addf %scan3A_715, %get3A_736 : vector<16xf32>
        scf.yield %add3A_722, %add3A_727, %add3A_732, %add3A_737 : vector<16xf32>, vector<16xf32>, vector<16xf32>, vector<16xf32>
      }
      %scan3A_242 = arith.constant 50 : i32
      %mul3A_243 = vector.broadcast %squeeze3A : f32 to vector<16xf32>
      %mul3A_244 = arith.mulf %scan3A_241#0, %mul3A_243 : vector<16xf32>
      %swap3A_245 = arith.constant 5 : i32
      %swap3A_246 = arith.index_cast %swap3A_245 : i32 to index
      %swap3A_247 = arith.constant 0 : index
      %swap3A_248 = tpu.vector_load %arg10[%swap3A_246, %swap3A_247] {strides = array<i32>} : memref<8x64xf32, #tpu.memory_space<vmem>>, vector<1x16xf32>,
      %swap3A_249 = vector.shape_cast %swap3A_248 : vector<1x16xf32> to vector<16xf32>
      %swap3A_250 = vector.shape_cast %mul3A_244 : vector<16xf32> to vector<1x16xf32>
      tpu.vector_store %arg10[%swap3A_246, %swap3A_247], %swap3A_250 {strides = array<i32>} : memref<8x64xf32, #tpu.memory_space<vmem>>, vector<1x16xf32>,
      %mul3A_251 = vector.broadcast %squeeze3A : f32 to vector<16xf32>
      %mul3A_252 = arith.mulf %scan3A_241#1, %mul3A_251 : vector<16xf32>
      %swap3A_253 = arith.constant 5 : i32
      %swap3A_254 = arith.index_cast %swap3A_253 : i32 to index
      %swap3A_255 = arith.constant 16 : index
      %swap3A_256 = tpu.vector_load %arg10[%swap3A_254, %swap3A_255] {strides = array<i32>} : memref<8x64xf32, #tpu.memory_space<vmem>>, vector<1x16xf32>,
      %swap3A_257 = vector.shape_cast %swap3A_256 : vector<1x16xf32> to vector<16xf32>
      %swap3A_258 = vector.shape_cast %mul3A_252 : vector<16xf32> to vector<1x16xf32>
      tpu.vector_store %arg10[%swap3A_254, %swap3A_255], %swap3A_258 {strides = array<i32>} : memref<8x64xf32, #tpu.memory_space<vmem>>, vector<1x16xf32>,
      %mul3A_259 = vector.broadcast %squeeze3A : f32 to vector<16xf32>
      %mul3A_260 = arith.mulf %scan3A_241#2, %mul3A_259 : vector<16xf32>
      %swap3A_261 = arith.constant 5 : i32
      %swap3A_262 = arith.index_cast %swap3A_261 : i32 to index
      %swap3A_263 = arith.constant 32 : index
      %swap3A_264 = tpu.vector_load %arg10[%swap3A_262, %swap3A_263] {strides = array<i32>} : memref<8x64xf32, #tpu.memory_space<vmem>>, vector<1x16xf32>,
      %swap3A_265 = vector.shape_cast %swap3A_264 : vector<1x16xf32> to vector<16xf32>
      %swap3A_266 = vector.shape_cast %mul3A_260 : vector<16xf32> to vector<1x16xf32>
      tpu.vector_store %arg10[%swap3A_262, %swap3A_263], %swap3A_266 {strides = array<i32>} : memref<8x64xf32, #tpu.memory_space<vmem>>, vector<1x16xf32>,
      %mul3A_267 = vector.broadcast %squeeze3A : f32 to vector<16xf32>
      %mul3A_268 = arith.mulf %scan3A_241#3, %mul3A_267 : vector<16xf32>
      %swap3A_269 = arith.constant 5 : i32
      %swap3A_270 = arith.index_cast %swap3A_269 : i32 to index
      %swap3A_271 = arith.constant 48 : index
      %swap3A_272 = tpu.vector_load %arg10[%swap3A_270, %swap3A_271] {strides = array<i32>} : memref<8x64xf32, #tpu.memory_space<vmem>>, vector<1x16xf32>,
      %swap3A_273 = vector.shape_cast %swap3A_272 : vector<1x16xf32> to vector<16xf32>
      %swap3A_274 = vector.shape_cast %mul3A_268 : vector<16xf32> to vector<1x16xf32>
      tpu.vector_store %arg10[%swap3A_270, %swap3A_271], %swap3A_274 {strides = array<i32>} : memref<8x64xf32, #tpu.memory_space<vmem>>, vector<1x16xf32>,
      %broadcast_in_dim3A_275 = arith.constant 0.000000e+00 : f32
      %broadcast_in_dim3A_276 = vector.broadcast %broadcast_in_dim3A_275 : f32 to vector<16xf32>
      %scan3A_277 = arith.constant 0 : i32
      %scan3A_278 = arith.constant 50 : i32
      %scan3A_279 = arith.addi %scan3A_277, %scan3A_278 : i32
      %scan3A_280 = arith.constant 1 : i32
      %scan3A_281:4 = scf.for %scan3A_711 = %scan3A_277 to %scan3A_279 step %scan3A_280 iter_args(%scan3A_712 = %broadcast_in_dim3A_276, %scan3A_713 = %broadcast_in_dim3A_276, %scan3A_714 = %broadcast_in_dim3A_276, %scan3A_715 = %broadcast_in_dim3A_276) -> (vector<16xf32>, vector<16xf32>, vector<16xf32>, vector<16xf32>)  : i32 {
        %add3A_716 = arith.constant 300 : i32
        %add3A_717 = arith.addi %add3A_716, %scan3A_711 : i32
        %get3A_718 = arith.index_cast %add3A_717 : i32 to index
        %get3A_719 = arith.constant 0 : index
        %get3A_720 = tpu.vector_load %arg8[%get3A_718, %get3A_719] {strides = array<i32>} : memref<400x64xf32, #tpu.memory_space<vmem>>, vector<1x16xf32>,
        %get3A_721 = vector.shape_cast %get3A_720 : vector<1x16xf32> to vector<16xf32>
        %add3A_722 = arith.addf %scan3A_712, %get3A_721 : vector<16xf32>
        %get3A_723 = arith.index_cast %add3A_717 : i32 to index
        %get3A_724 = arith.constant 16 : index
        %get3A_725 = tpu.vector_load %arg8[%get3A_723, %get3A_724] {strides = array<i32>} : memref<400x64xf32, #tpu.memory_space<vmem>>, vector<1x16xf32>,
        %get3A_726 = vector.shape_cast %get3A_725 : vector<1x16xf32> to vector<16xf32>
        %add3A_727 = arith.addf %scan3A_713, %get3A_726 : vector<16xf32>
        %get3A_728 = arith.index_cast %add3A_717 : i32 to index
        %get3A_729 = arith.constant 32 : index
        %get3A_730 = tpu.vector_load %arg8[%get3A_728, %get3A_729] {strides = array<i32>} : memref<400x64xf32, #tpu.memory_space<vmem>>, vector<1x16xf32>,
        %get3A_731 = vector.shape_cast %get3A_730 : vector<1x16xf32> to vector<16xf32>
        %add3A_732 = arith.addf %scan3A_714, %get3A_731 : vector<16xf32>
        %get3A_733 = arith.index_cast %add3A_717 : i32 to index
        %get3A_734 = arith.constant 48 : index
        %get3A_735 = tpu.vector_load %arg8[%get3A_733, %get3A_734] {strides = array<i32>} : memref<400x64xf32, #tpu.memory_space<vmem>>, vector<1x16xf32>,
        %get3A_736 = vector.shape_cast %get3A_735 : vector<1x16xf32> to vector<16xf32>
        %add3A_737 = arith.addf %scan3A_715, %get3A_736 : vector<16xf32>
        scf.yield %add3A_722, %add3A_727, %add3A_732, %add3A_737 : vector<16xf32>, vector<16xf32>, vector<16xf32>, vector<16xf32>
      }
      %scan3A_282 = arith.constant 50 : i32
      %mul3A_283 = vector.broadcast %squeeze3A : f32 to vector<16xf32>
      %mul3A_284 = arith.mulf %scan3A_281#0, %mul3A_283 : vector<16xf32>
      %swap3A_285 = arith.constant 6 : i32
      %swap3A_286 = arith.index_cast %swap3A_285 : i32 to index
      %swap3A_287 = arith.constant 0 : index
      %swap3A_288 = tpu.vector_load %arg10[%swap3A_286, %swap3A_287] {strides = array<i32>} : memref<8x64xf32, #tpu.memory_space<vmem>>, vector<1x16xf32>,
      %swap3A_289 = vector.shape_cast %swap3A_288 : vector<1x16xf32> to vector<16xf32>
      %swap3A_290 = vector.shape_cast %mul3A_284 : vector<16xf32> to vector<1x16xf32>
      tpu.vector_store %arg10[%swap3A_286, %swap3A_287], %swap3A_290 {strides = array<i32>} : memref<8x64xf32, #tpu.memory_space<vmem>>, vector<1x16xf32>,
      %mul3A_291 = vector.broadcast %squeeze3A : f32 to vector<16xf32>
      %mul3A_292 = arith.mulf %scan3A_281#1, %mul3A_291 : vector<16xf32>
      %swap3A_293 = arith.constant 6 : i32
      %swap3A_294 = arith.index_cast %swap3A_293 : i32 to index
      %swap3A_295 = arith.constant 16 : index
      %swap3A_296 = tpu.vector_load %arg10[%swap3A_294, %swap3A_295] {strides = array<i32>} : memref<8x64xf32, #tpu.memory_space<vmem>>, vector<1x16xf32>,
      %swap3A_297 = vector.shape_cast %swap3A_296 : vector<1x16xf32> to vector<16xf32>
      %swap3A_298 = vector.shape_cast %mul3A_292 : vector<16xf32> to vector<1x16xf32>
      tpu.vector_store %arg10[%swap3A_294, %swap3A_295], %swap3A_298 {strides = array<i32>} : memref<8x64xf32, #tpu.memory_space<vmem>>, vector<1x16xf32>,
      %mul3A_299 = vector.broadcast %squeeze3A : f32 to vector<16xf32>
      %mul3A_300 = arith.mulf %scan3A_281#2, %mul3A_299 : vector<16xf32>
      %swap3A_301 = arith.constant 6 : i32
      %swap3A_302 = arith.index_cast %swap3A_301 : i32 to index
      %swap3A_303 = arith.constant 32 : index
      %swap3A_304 = tpu.vector_load %arg10[%swap3A_302, %swap3A_303] {strides = array<i32>} : memref<8x64xf32, #tpu.memory_space<vmem>>, vector<1x16xf32>,
      %swap3A_305 = vector.shape_cast %swap3A_304 : vector<1x16xf32> to vector<16xf32>
      %swap3A_306 = vector.shape_cast %mul3A_300 : vector<16xf32> to vector<1x16xf32>
      tpu.vector_store %arg10[%swap3A_302, %swap3A_303], %swap3A_306 {strides = array<i32>} : memref<8x64xf32, #tpu.memory_space<vmem>>, vector<1x16xf32>,
      %mul3A_307 = vector.broadcast %squeeze3A : f32 to vector<16xf32>
      %mul3A_308 = arith.mulf %scan3A_281#3, %mul3A_307 : vector<16xf32>
      %swap3A_309 = arith.constant 6 : i32
      %swap3A_310 = arith.index_cast %swap3A_309 : i32 to index
      %swap3A_311 = arith.constant 48 : index
      %swap3A_312 = tpu.vector_load %arg10[%swap3A_310, %swap3A_311] {strides = array<i32>} : memref<8x64xf32, #tpu.memory_space<vmem>>, vector<1x16xf32>,
      %swap3A_313 = vector.shape_cast %swap3A_312 : vector<1x16xf32> to vector<16xf32>
      %swap3A_314 = vector.shape_cast %mul3A_308 : vector<16xf32> to vector<1x16xf32>
      tpu.vector_store %arg10[%swap3A_310, %swap3A_311], %swap3A_314 {strides = array<i32>} : memref<8x64xf32, #tpu.memory_space<vmem>>, vector<1x16xf32>,
      %broadcast_in_dim3A_315 = arith.constant 0.000000e+00 : f32
      %broadcast_in_dim3A_316 = vector.broadcast %broadcast_in_dim3A_315 : f32 to vector<16xf32>
      %scan3A_317 = arith.constant 0 : i32
      %scan3A_318 = arith.constant 50 : i32
      %scan3A_319 = arith.addi %scan3A_317, %scan3A_318 : i32
      %scan3A_320 = arith.constant 1 : i32
      %scan3A_321:4 = scf.for %scan3A_711 = %scan3A_317 to %scan3A_319 step %scan3A_320 iter_args(%scan3A_712 = %broadcast_in_dim3A_316, %scan3A_713 = %broadcast_in_dim3A_316, %scan3A_714 = %broadcast_in_dim3A_316, %scan3A_715 = %broadcast_in_dim3A_316) -> (vector<16xf32>, vector<16xf32>, vector<16xf32>, vector<16xf32>)  : i32 {
        %add3A_716 = arith.constant 350 : i32
        %add3A_717 = arith.addi %add3A_716, %scan3A_711 : i32
        %get3A_718 = arith.index_cast %add3A_717 : i32 to index
        %get3A_719 = arith.constant 0 : index
        %get3A_720 = tpu.vector_load %arg8[%get3A_718, %get3A_719] {strides = array<i32>} : memref<400x64xf32, #tpu.memory_space<vmem>>, vector<1x16xf32>,
        %get3A_721 = vector.shape_cast %get3A_720 : vector<1x16xf32> to vector<16xf32>
        %add3A_722 = arith.addf %scan3A_712, %get3A_721 : vector<16xf32>
        %get3A_723 = arith.index_cast %add3A_717 : i32 to index
        %get3A_724 = arith.constant 16 : index
        %get3A_725 = tpu.vector_load %arg8[%get3A_723, %get3A_724] {strides = array<i32>} : memref<400x64xf32, #tpu.memory_space<vmem>>, vector<1x16xf32>,
        %get3A_726 = vector.shape_cast %get3A_725 : vector<1x16xf32> to vector<16xf32>
        %add3A_727 = arith.addf %scan3A_713, %get3A_726 : vector<16xf32>
        %get3A_728 = arith.index_cast %add3A_717 : i32 to index
        %get3A_729 = arith.constant 32 : index
        %get3A_730 = tpu.vector_load %arg8[%get3A_728, %get3A_729] {strides = array<i32>} : memref<400x64xf32, #tpu.memory_space<vmem>>, vector<1x16xf32>,
        %get3A_731 = vector.shape_cast %get3A_730 : vector<1x16xf32> to vector<16xf32>
        %add3A_732 = arith.addf %scan3A_714, %get3A_731 : vector<16xf32>
        %get3A_733 = arith.index_cast %add3A_717 : i32 to index
        %get3A_734 = arith.constant 48 : index
        %get3A_735 = tpu.vector_load %arg8[%get3A_733, %get3A_734] {strides = array<i32>} : memref<400x64xf32, #tpu.memory_space<vmem>>, vector<1x16xf32>,
        %get3A_736 = vector.shape_cast %get3A_735 : vector<1x16xf32> to vector<16xf32>
        %add3A_737 = arith.addf %scan3A_715, %get3A_736 : vector<16xf32>
        scf.yield %add3A_722, %add3A_727, %add3A_732, %add3A_737 : vector<16xf32>, vector<16xf32>, vector<16xf32>, vector<16xf32>
      }
      %scan3A_322 = arith.constant 50 : i32
      %mul3A_323 = vector.broadcast %squeeze3A : f32 to vector<16xf32>
      %mul3A_324 = arith.mulf %scan3A_321#0, %mul3A_323 : vector<16xf32>
      %swap3A_325 = arith.constant 7 : i32
      %swap3A_326 = arith.index_cast %swap3A_325 : i32 to index
      %swap3A_327 = arith.constant 0 : index
      %swap3A_328 = tpu.vector_load %arg10[%swap3A_326, %swap3A_327] {strides = array<i32>} : memref<8x64xf32, #tpu.memory_space<vmem>>, vector<1x16xf32>,
      %swap3A_329 = vector.shape_cast %swap3A_328 : vector<1x16xf32> to vector<16xf32>
      %swap3A_330 = vector.shape_cast %mul3A_324 : vector<16xf32> to vector<1x16xf32>
      tpu.vector_store %arg10[%swap3A_326, %swap3A_327], %swap3A_330 {strides = array<i32>} : memref<8x64xf32, #tpu.memory_space<vmem>>, vector<1x16xf32>,
      %mul3A_331 = vector.broadcast %squeeze3A : f32 to vector<16xf32>
      %mul3A_332 = arith.mulf %scan3A_321#1, %mul3A_331 : vector<16xf32>
      %swap3A_333 = arith.constant 7 : i32
      %swap3A_334 = arith.index_cast %swap3A_333 : i32 to index
      %swap3A_335 = arith.constant 16 : index
      %swap3A_336 = tpu.vector_load %arg10[%swap3A_334, %swap3A_335] {strides = array<i32>} : memref<8x64xf32, #tpu.memory_space<vmem>>, vector<1x16xf32>,
      %swap3A_337 = vector.shape_cast %swap3A_336 : vector<1x16xf32> to vector<16xf32>
      %swap3A_338 = vector.shape_cast %mul3A_332 : vector<16xf32> to vector<1x16xf32>
      tpu.vector_store %arg10[%swap3A_334, %swap3A_335], %swap3A_338 {strides = array<i32>} : memref<8x64xf32, #tpu.memory_space<vmem>>, vector<1x16xf32>,
      %mul3A_339 = vector.broadcast %squeeze3A : f32 to vector<16xf32>
      %mul3A_340 = arith.mulf %scan3A_321#2, %mul3A_339 : vector<16xf32>
      %swap3A_341 = arith.constant 7 : i32
      %swap3A_342 = arith.index_cast %swap3A_341 : i32 to index
      %swap3A_343 = arith.constant 32 : index
      %swap3A_344 = tpu.vector_load %arg10[%swap3A_342, %swap3A_343] {strides = array<i32>} : memref<8x64xf32, #tpu.memory_space<vmem>>, vector<1x16xf32>,
      %swap3A_345 = vector.shape_cast %swap3A_344 : vector<1x16xf32> to vector<16xf32>
      %swap3A_346 = vector.shape_cast %mul3A_340 : vector<16xf32> to vector<1x16xf32>
      tpu.vector_store %arg10[%swap3A_342, %swap3A_343], %swap3A_346 {strides = array<i32>} : memref<8x64xf32, #tpu.memory_space<vmem>>, vector<1x16xf32>,
      %mul3A_347 = vector.broadcast %squeeze3A : f32 to vector<16xf32>
      %mul3A_348 = arith.mulf %scan3A_321#3, %mul3A_347 : vector<16xf32>
      %swap3A_349 = arith.constant 7 : i32
      %swap3A_350 = arith.index_cast %swap3A_349 : i32 to index
      %swap3A_351 = arith.constant 48 : index
      %swap3A_352 = tpu.vector_load %arg10[%swap3A_350, %swap3A_351] {strides = array<i32>} : memref<8x64xf32, #tpu.memory_space<vmem>>, vector<1x16xf32>,
      %swap3A_353 = vector.shape_cast %swap3A_352 : vector<1x16xf32> to vector<16xf32>
      %swap3A_354 = vector.shape_cast %mul3A_348 : vector<16xf32> to vector<1x16xf32>
      tpu.vector_store %arg10[%swap3A_350, %swap3A_351], %swap3A_354 {strides = array<i32>} : memref<8x64xf32, #tpu.memory_space<vmem>>, vector<1x16xf32>,
      %ge3A_355 = arith.constant 64 : i32
      %ge3A_356 = arith.cmpi sge, %add3A_29, %ge3A_355 : i32
      %convert_element_type3A_357 = arith.extui %ge3A_356 : i1 to i32
      %mul3A_358 = arith.constant 64 : i32
      %mul3A_359 = arith.muli %convert_element_type3A_357, %mul3A_358 : i32
      %sub3A_360 = arith.subi %add3A_29, %mul3A_359 : i32
      %mul3A_361 = arith.constant 8 : i32
      %mul3A_362 = arith.muli %sub3A_360, %mul3A_361 : i32
      %add3A_363 = arith.addi %mul3A_4, %mul3A_362 : i32
      %mul3A_364 = arith.constant 64 : i32
      %mul3A_365 = arith.muli %convert_element_type3A_357, %mul3A_364 : i32
      "tpu.region"() ({
        %run_scoped3A = tpu.sem_alloc : memref<!tpu.dma_semaphore, #tpu.memory_space<semaphore_mem>>
        %dma_start3A_711 = tpu.memref_slice %arg5[%add3A_363, %mul3A_365] : memref<16384x128xf32, #tpu.memory_space<hbm>> -> memref<8x64xf32, #tpu.memory_space<hbm>>
        %dma_start3A_712 = tpu.memref_slice %arg5[%add3A_363, %mul3A_365] : memref<16384x128xf32, #tpu.memory_space<hbm>> -> memref<8x64xf32, #tpu.memory_space<hbm>>
        tpu.enqueue_dma source(%arg10 : memref<8x64xf32, #tpu.memory_space<vmem>>) target(%dma_start3A_712 : memref<8x64xf32, #tpu.memory_space<hbm>>) target_semaphore(%run_scoped3A : memref<!tpu.dma_semaphore, #tpu.memory_space<semaphore_mem>>)
        %dma_wait3A_713 = tpu.memref_slice %arg5[%add3A_363, %mul3A_365] : memref<16384x128xf32, #tpu.memory_space<hbm>> -> memref<8x64xf32, #tpu.memory_space<hbm>>
        %dma_wait3A_714 = tpu.memref_slice %arg5[%add3A_363, %mul3A_365] : memref<16384x128xf32, #tpu.memory_space<hbm>> -> memref<8x64xf32, #tpu.memory_space<hbm>>
        tpu.wait_dma2 semaphore(%run_scoped3A : memref<!tpu.dma_semaphore, #tpu.memory_space<semaphore_mem>>) src(%arg10 : memref<8x64xf32, #tpu.memory_space<vmem>>) dst(%dma_wait3A_714 : memref<8x64xf32, #tpu.memory_space<hbm>>)
        tpu.yield
      }) : () -> ()
      %mul3A_366 = arith.constant 2 : i32
      %mul3A_367 = arith.muli %scan3A_25, %mul3A_366 : i32
      %add3A_368 = arith.constant 1 : i32
      %add3A_369 = arith.addi %mul3A_367, %add3A_368 : i32
      %add3A_370 = arith.constant 1 : i32
      %add3A_371 = arith.addi %add3A_369, %add3A_370 : i32
      %lt3A_372 = arith.constant 128 : i32
      %lt3A_373 = arith.cmpi slt, %add3A_371, %lt3A_372 : i32
      %convert_element_type3A_374 = arith.extui %lt3A_373 : i1 to i32
      %cond3A_375 = arith.constant 0 : i32
      %cond3A_376 = arith.cmpi ne, %convert_element_type3A_374, %cond3A_375 : i32
      scf.if %cond3A_376 {
        %add3A_711 = arith.constant 1 : i32
        %add3A_712 = arith.addi %add3A_369, %add3A_711 : i32
        %ge3A_713 = arith.constant 64 : i32
        %ge3A_714 = arith.cmpi sge, %add3A_712, %ge3A_713 : i32
        %convert_element_type3A_715 = arith.extui %ge3A_714 : i1 to i32
        %mul3A_716 = arith.constant 64 : i32
        %mul3A_717 = arith.muli %convert_element_type3A_715, %mul3A_716 : i32
        %sub3A_718 = arith.subi %add3A_712, %mul3A_717 : i32
        %mul3A_719 = arith.constant 819200 : i32
        %mul3A_720 = arith.muli %convert_element_type3A_715, %mul3A_719 : i32
        %mul3A_721 = arith.constant 8 : i32
        %mul3A_722 = arith.muli %sub3A_718, %mul3A_721 : i32
        %add3A_723 = arith.addi %mul3A_4, %mul3A_722 : i32
        %mul3A_724 = arith.constant 50 : i32
        %mul3A_725 = arith.muli %add3A_723, %mul3A_724 : i32
        %add3A_726 = arith.addi %mul3A_720, %mul3A_725 : i32
        "tpu.region"() ({
          %run_scoped3A = tpu.sem_alloc : memref<!tpu.dma_semaphore, #tpu.memory_space<semaphore_mem>>
          %dma_start3A_730 = tpu.memref_slice %arg2[%add3A_726] : memref<1638400xi32, #tpu.memory_space<hbm>> -> memref<400xi32, #tpu.memory_space<hbm>>
          %dma_start3A_731 = tpu.memref_slice %arg2[%add3A_726] : memref<1638400xi32, #tpu.memory_space<hbm>> -> memref<400xi32, #tpu.memory_space<hbm>>
          tpu.enqueue_dma source(%dma_start3A_731 : memref<400xi32, #tpu.memory_space<hbm>>) target(%arg6 : memref<400xi32, #tpu.memory_space<vmem>>) target_semaphore(%run_scoped3A : memref<!tpu.dma_semaphore, #tpu.memory_space<semaphore_mem>>)
          %dma_wait3A_732 = tpu.memref_slice %arg2[%add3A_726] : memref<1638400xi32, #tpu.memory_space<hbm>> -> memref<400xi32, #tpu.memory_space<hbm>>
          %dma_wait3A_733 = tpu.memref_slice %arg2[%add3A_726] : memref<1638400xi32, #tpu.memory_space<hbm>> -> memref<400xi32, #tpu.memory_space<hbm>>
          tpu.wait_dma2 semaphore(%run_scoped3A : memref<!tpu.dma_semaphore, #tpu.memory_space<semaphore_mem>>) src(%dma_wait3A_733 : memref<400xi32, #tpu.memory_space<hbm>>) dst(%arg6 : memref<400xi32, #tpu.memory_space<vmem>>)
          tpu.yield
        }) : () -> ()
        %dma_start3A_727 = arith.constant 0 : i32
        %dma_start3A_728 = arith.constant 0 : i32
        %dma_start3A_729 = tpu.memref_slice %arg3[%dma_start3A_727, %dma_start3A_728] : memref<1001472x64xf32, #tpu.memory_space<hbm>> -> memref<1001472x64xf32, #tpu.memory_space<hbm>>
        tpu.enqueue_indirect_dma source(%dma_start3A_729 : memref<1001472x64xf32, #tpu.memory_space<hbm>>) target(%arg8 : memref<400x64xf32, #tpu.memory_space<vmem>>) offsets(%arg6 : memref<400xi32, #tpu.memory_space<vmem>>) semaphore(%arg11 : memref<!tpu.dma_semaphore, #tpu.memory_space<semaphore_mem>>)
      } else {
      }
      %dma_wait3A_377 = arith.constant 0 : i32
      %dma_wait3A_378 = arith.constant 0 : i32
      %dma_wait3A_379 = tpu.memref_slice %arg3[%dma_wait3A_377, %dma_wait3A_378] : memref<1001472x64xf32, #tpu.memory_space<hbm>> -> memref<1001472x64xf32, #tpu.memory_space<hbm>>
      tpu.wait_indirect_dma semaphore(%arg12 : memref<!tpu.dma_semaphore, #tpu.memory_space<semaphore_mem>>) src(%dma_wait3A_379 : memref<1001472x64xf32, #tpu.memory_space<hbm>>) dst(%arg9 : memref<400x64xf32, #tpu.memory_space<vmem>>)
      %broadcast_in_dim3A_380 = arith.constant 0.000000e+00 : f32
      %broadcast_in_dim3A_381 = vector.broadcast %broadcast_in_dim3A_380 : f32 to vector<16xf32>
      %scan3A_382 = arith.constant 0 : i32
      %scan3A_383 = arith.constant 50 : i32
      %scan3A_384 = arith.addi %scan3A_382, %scan3A_383 : i32
      %scan3A_385 = arith.constant 1 : i32
      %scan3A_386:4 = scf.for %scan3A_711 = %scan3A_382 to %scan3A_384 step %scan3A_385 iter_args(%scan3A_712 = %broadcast_in_dim3A_381, %scan3A_713 = %broadcast_in_dim3A_381, %scan3A_714 = %broadcast_in_dim3A_381, %scan3A_715 = %broadcast_in_dim3A_381) -> (vector<16xf32>, vector<16xf32>, vector<16xf32>, vector<16xf32>)  : i32 {
        %add3A_716 = arith.constant 0 : i32
        %add3A_717 = arith.addi %add3A_716, %scan3A_711 : i32
        %get3A_718 = arith.index_cast %add3A_717 : i32 to index
        %get3A_719 = arith.constant 0 : index
        %get3A_720 = tpu.vector_load %arg9[%get3A_718, %get3A_719] {strides = array<i32>} : memref<400x64xf32, #tpu.memory_space<vmem>>, vector<1x16xf32>,
        %get3A_721 = vector.shape_cast %get3A_720 : vector<1x16xf32> to vector<16xf32>
        %add3A_722 = arith.addf %scan3A_712, %get3A_721 : vector<16xf32>
        %get3A_723 = arith.index_cast %add3A_717 : i32 to index
        %get3A_724 = arith.constant 16 : index
        %get3A_725 = tpu.vector_load %arg9[%get3A_723, %get3A_724] {strides = array<i32>} : memref<400x64xf32, #tpu.memory_space<vmem>>, vector<1x16xf32>,
        %get3A_726 = vector.shape_cast %get3A_725 : vector<1x16xf32> to vector<16xf32>
        %add3A_727 = arith.addf %scan3A_713, %get3A_726 : vector<16xf32>
        %get3A_728 = arith.index_cast %add3A_717 : i32 to index
        %get3A_729 = arith.constant 32 : index
        %get3A_730 = tpu.vector_load %arg9[%get3A_728, %get3A_729] {strides = array<i32>} : memref<400x64xf32, #tpu.memory_space<vmem>>, vector<1x16xf32>,
        %get3A_731 = vector.shape_cast %get3A_730 : vector<1x16xf32> to vector<16xf32>
        %add3A_732 = arith.addf %scan3A_714, %get3A_731 : vector<16xf32>
        %get3A_733 = arith.index_cast %add3A_717 : i32 to index
        %get3A_734 = arith.constant 48 : index
        %get3A_735 = tpu.vector_load %arg9[%get3A_733, %get3A_734] {strides = array<i32>} : memref<400x64xf32, #tpu.memory_space<vmem>>, vector<1x16xf32>,
        %get3A_736 = vector.shape_cast %get3A_735 : vector<1x16xf32> to vector<16xf32>
        %add3A_737 = arith.addf %scan3A_715, %get3A_736 : vector<16xf32>
        scf.yield %add3A_722, %add3A_727, %add3A_732, %add3A_737 : vector<16xf32>, vector<16xf32>, vector<16xf32>, vector<16xf32>
      }
      %scan3A_387 = arith.constant 50 : i32
      %mul3A_388 = vector.broadcast %squeeze3A : f32 to vector<16xf32>
      %mul3A_389 = arith.mulf %scan3A_386#0, %mul3A_388 : vector<16xf32>
      %swap3A_390 = arith.constant 0 : i32
      %swap3A_391 = arith.index_cast %swap3A_390 : i32 to index
      %swap3A_392 = arith.constant 0 : index
      %swap3A_393 = tpu.vector_load %arg10[%swap3A_391, %swap3A_392] {strides = array<i32>} : memref<8x64xf32, #tpu.memory_space<vmem>>, vector<1x16xf32>,
      %swap3A_394 = vector.shape_cast %swap3A_393 : vector<1x16xf32> to vector<16xf32>
      %swap3A_395 = vector.shape_cast %mul3A_389 : vector<16xf32> to vector<1x16xf32>
      tpu.vector_store %arg10[%swap3A_391, %swap3A_392], %swap3A_395 {strides = array<i32>} : memref<8x64xf32, #tpu.memory_space<vmem>>, vector<1x16xf32>,
      %mul3A_396 = vector.broadcast %squeeze3A : f32 to vector<16xf32>
      %mul3A_397 = arith.mulf %scan3A_386#1, %mul3A_396 : vector<16xf32>
      %swap3A_398 = arith.constant 0 : i32
      %swap3A_399 = arith.index_cast %swap3A_398 : i32 to index
      %swap3A_400 = arith.constant 16 : index
      %swap3A_401 = tpu.vector_load %arg10[%swap3A_399, %swap3A_400] {strides = array<i32>} : memref<8x64xf32, #tpu.memory_space<vmem>>, vector<1x16xf32>,
      %swap3A_402 = vector.shape_cast %swap3A_401 : vector<1x16xf32> to vector<16xf32>
      %swap3A_403 = vector.shape_cast %mul3A_397 : vector<16xf32> to vector<1x16xf32>
      tpu.vector_store %arg10[%swap3A_399, %swap3A_400], %swap3A_403 {strides = array<i32>} : memref<8x64xf32, #tpu.memory_space<vmem>>, vector<1x16xf32>,
      %mul3A_404 = vector.broadcast %squeeze3A : f32 to vector<16xf32>
      %mul3A_405 = arith.mulf %scan3A_386#2, %mul3A_404 : vector<16xf32>
      %swap3A_406 = arith.constant 0 : i32
      %swap3A_407 = arith.index_cast %swap3A_406 : i32 to index
      %swap3A_408 = arith.constant 32 : index
      %swap3A_409 = tpu.vector_load %arg10[%swap3A_407, %swap3A_408] {strides = array<i32>} : memref<8x64xf32, #tpu.memory_space<vmem>>, vector<1x16xf32>,
      %swap3A_410 = vector.shape_cast %swap3A_409 : vector<1x16xf32> to vector<16xf32>
      %swap3A_411 = vector.shape_cast %mul3A_405 : vector<16xf32> to vector<1x16xf32>
      tpu.vector_store %arg10[%swap3A_407, %swap3A_408], %swap3A_411 {strides = array<i32>} : memref<8x64xf32, #tpu.memory_space<vmem>>, vector<1x16xf32>,
      %mul3A_412 = vector.broadcast %squeeze3A : f32 to vector<16xf32>
      %mul3A_413 = arith.mulf %scan3A_386#3, %mul3A_412 : vector<16xf32>
      %swap3A_414 = arith.constant 0 : i32
      %swap3A_415 = arith.index_cast %swap3A_414 : i32 to index
      %swap3A_416 = arith.constant 48 : index
      %swap3A_417 = tpu.vector_load %arg10[%swap3A_415, %swap3A_416] {strides = array<i32>} : memref<8x64xf32, #tpu.memory_space<vmem>>, vector<1x16xf32>,
      %swap3A_418 = vector.shape_cast %swap3A_417 : vector<1x16xf32> to vector<16xf32>
      %swap3A_419 = vector.shape_cast %mul3A_413 : vector<16xf32> to vector<1x16xf32>
      tpu.vector_store %arg10[%swap3A_415, %swap3A_416], %swap3A_419 {strides = array<i32>} : memref<8x64xf32, #tpu.memory_space<vmem>>, vector<1x16xf32>,
      %broadcast_in_dim3A_420 = arith.constant 0.000000e+00 : f32
      %broadcast_in_dim3A_421 = vector.broadcast %broadcast_in_dim3A_420 : f32 to vector<16xf32>
      %scan3A_422 = arith.constant 0 : i32
      %scan3A_423 = arith.constant 50 : i32
      %scan3A_424 = arith.addi %scan3A_422, %scan3A_423 : i32
      %scan3A_425 = arith.constant 1 : i32
      %scan3A_426:4 = scf.for %scan3A_711 = %scan3A_422 to %scan3A_424 step %scan3A_425 iter_args(%scan3A_712 = %broadcast_in_dim3A_421, %scan3A_713 = %broadcast_in_dim3A_421, %scan3A_714 = %broadcast_in_dim3A_421, %scan3A_715 = %broadcast_in_dim3A_421) -> (vector<16xf32>, vector<16xf32>, vector<16xf32>, vector<16xf32>)  : i32 {
        %add3A_716 = arith.constant 50 : i32
        %add3A_717 = arith.addi %add3A_716, %scan3A_711 : i32
        %get3A_718 = arith.index_cast %add3A_717 : i32 to index
        %get3A_719 = arith.constant 0 : index
        %get3A_720 = tpu.vector_load %arg9[%get3A_718, %get3A_719] {strides = array<i32>} : memref<400x64xf32, #tpu.memory_space<vmem>>, vector<1x16xf32>,
        %get3A_721 = vector.shape_cast %get3A_720 : vector<1x16xf32> to vector<16xf32>
        %add3A_722 = arith.addf %scan3A_712, %get3A_721 : vector<16xf32>
        %get3A_723 = arith.index_cast %add3A_717 : i32 to index
        %get3A_724 = arith.constant 16 : index
        %get3A_725 = tpu.vector_load %arg9[%get3A_723, %get3A_724] {strides = array<i32>} : memref<400x64xf32, #tpu.memory_space<vmem>>, vector<1x16xf32>,
        %get3A_726 = vector.shape_cast %get3A_725 : vector<1x16xf32> to vector<16xf32>
        %add3A_727 = arith.addf %scan3A_713, %get3A_726 : vector<16xf32>
        %get3A_728 = arith.index_cast %add3A_717 : i32 to index
        %get3A_729 = arith.constant 32 : index
        %get3A_730 = tpu.vector_load %arg9[%get3A_728, %get3A_729] {strides = array<i32>} : memref<400x64xf32, #tpu.memory_space<vmem>>, vector<1x16xf32>,
        %get3A_731 = vector.shape_cast %get3A_730 : vector<1x16xf32> to vector<16xf32>
        %add3A_732 = arith.addf %scan3A_714, %get3A_731 : vector<16xf32>
        %get3A_733 = arith.index_cast %add3A_717 : i32 to index
        %get3A_734 = arith.constant 48 : index
        %get3A_735 = tpu.vector_load %arg9[%get3A_733, %get3A_734] {strides = array<i32>} : memref<400x64xf32, #tpu.memory_space<vmem>>, vector<1x16xf32>,
        %get3A_736 = vector.shape_cast %get3A_735 : vector<1x16xf32> to vector<16xf32>
        %add3A_737 = arith.addf %scan3A_715, %get3A_736 : vector<16xf32>
        scf.yield %add3A_722, %add3A_727, %add3A_732, %add3A_737 : vector<16xf32>, vector<16xf32>, vector<16xf32>, vector<16xf32>
      }
      %scan3A_427 = arith.constant 50 : i32
      %mul3A_428 = vector.broadcast %squeeze3A : f32 to vector<16xf32>
      %mul3A_429 = arith.mulf %scan3A_426#0, %mul3A_428 : vector<16xf32>
      %swap3A_430 = arith.constant 1 : i32
      %swap3A_431 = arith.index_cast %swap3A_430 : i32 to index
      %swap3A_432 = arith.constant 0 : index
      %swap3A_433 = tpu.vector_load %arg10[%swap3A_431, %swap3A_432] {strides = array<i32>} : memref<8x64xf32, #tpu.memory_space<vmem>>, vector<1x16xf32>,
      %swap3A_434 = vector.shape_cast %swap3A_433 : vector<1x16xf32> to vector<16xf32>
      %swap3A_435 = vector.shape_cast %mul3A_429 : vector<16xf32> to vector<1x16xf32>
      tpu.vector_store %arg10[%swap3A_431, %swap3A_432], %swap3A_435 {strides = array<i32>} : memref<8x64xf32, #tpu.memory_space<vmem>>, vector<1x16xf32>,
      %mul3A_436 = vector.broadcast %squeeze3A : f32 to vector<16xf32>
      %mul3A_437 = arith.mulf %scan3A_426#1, %mul3A_436 : vector<16xf32>
      %swap3A_438 = arith.constant 1 : i32
      %swap3A_439 = arith.index_cast %swap3A_438 : i32 to index
      %swap3A_440 = arith.constant 16 : index
      %swap3A_441 = tpu.vector_load %arg10[%swap3A_439, %swap3A_440] {strides = array<i32>} : memref<8x64xf32, #tpu.memory_space<vmem>>, vector<1x16xf32>,
      %swap3A_442 = vector.shape_cast %swap3A_441 : vector<1x16xf32> to vector<16xf32>
      %swap3A_443 = vector.shape_cast %mul3A_437 : vector<16xf32> to vector<1x16xf32>
      tpu.vector_store %arg10[%swap3A_439, %swap3A_440], %swap3A_443 {strides = array<i32>} : memref<8x64xf32, #tpu.memory_space<vmem>>, vector<1x16xf32>,
      %mul3A_444 = vector.broadcast %squeeze3A : f32 to vector<16xf32>
      %mul3A_445 = arith.mulf %scan3A_426#2, %mul3A_444 : vector<16xf32>
      %swap3A_446 = arith.constant 1 : i32
      %swap3A_447 = arith.index_cast %swap3A_446 : i32 to index
      %swap3A_448 = arith.constant 32 : index
      %swap3A_449 = tpu.vector_load %arg10[%swap3A_447, %swap3A_448] {strides = array<i32>} : memref<8x64xf32, #tpu.memory_space<vmem>>, vector<1x16xf32>,
      %swap3A_450 = vector.shape_cast %swap3A_449 : vector<1x16xf32> to vector<16xf32>
      %swap3A_451 = vector.shape_cast %mul3A_445 : vector<16xf32> to vector<1x16xf32>
      tpu.vector_store %arg10[%swap3A_447, %swap3A_448], %swap3A_451 {strides = array<i32>} : memref<8x64xf32, #tpu.memory_space<vmem>>, vector<1x16xf32>,
      %mul3A_452 = vector.broadcast %squeeze3A : f32 to vector<16xf32>
      %mul3A_453 = arith.mulf %scan3A_426#3, %mul3A_452 : vector<16xf32>
      %swap3A_454 = arith.constant 1 : i32
      %swap3A_455 = arith.index_cast %swap3A_454 : i32 to index
      %swap3A_456 = arith.constant 48 : index
      %swap3A_457 = tpu.vector_load %arg10[%swap3A_455, %swap3A_456] {strides = array<i32>} : memref<8x64xf32, #tpu.memory_space<vmem>>, vector<1x16xf32>,
      %swap3A_458 = vector.shape_cast %swap3A_457 : vector<1x16xf32> to vector<16xf32>
      %swap3A_459 = vector.shape_cast %mul3A_453 : vector<16xf32> to vector<1x16xf32>
      tpu.vector_store %arg10[%swap3A_455, %swap3A_456], %swap3A_459 {strides = array<i32>} : memref<8x64xf32, #tpu.memory_space<vmem>>, vector<1x16xf32>,
      %broadcast_in_dim3A_460 = arith.constant 0.000000e+00 : f32
      %broadcast_in_dim3A_461 = vector.broadcast %broadcast_in_dim3A_460 : f32 to vector<16xf32>
      %scan3A_462 = arith.constant 0 : i32
      %scan3A_463 = arith.constant 50 : i32
      %scan3A_464 = arith.addi %scan3A_462, %scan3A_463 : i32
      %scan3A_465 = arith.constant 1 : i32
      %scan3A_466:4 = scf.for %scan3A_711 = %scan3A_462 to %scan3A_464 step %scan3A_465 iter_args(%scan3A_712 = %broadcast_in_dim3A_461, %scan3A_713 = %broadcast_in_dim3A_461, %scan3A_714 = %broadcast_in_dim3A_461, %scan3A_715 = %broadcast_in_dim3A_461) -> (vector<16xf32>, vector<16xf32>, vector<16xf32>, vector<16xf32>)  : i32 {
        %add3A_716 = arith.constant 100 : i32
        %add3A_717 = arith.addi %add3A_716, %scan3A_711 : i32
        %get3A_718 = arith.index_cast %add3A_717 : i32 to index
        %get3A_719 = arith.constant 0 : index
        %get3A_720 = tpu.vector_load %arg9[%get3A_718, %get3A_719] {strides = array<i32>} : memref<400x64xf32, #tpu.memory_space<vmem>>, vector<1x16xf32>,
        %get3A_721 = vector.shape_cast %get3A_720 : vector<1x16xf32> to vector<16xf32>
        %add3A_722 = arith.addf %scan3A_712, %get3A_721 : vector<16xf32>
        %get3A_723 = arith.index_cast %add3A_717 : i32 to index
        %get3A_724 = arith.constant 16 : index
        %get3A_725 = tpu.vector_load %arg9[%get3A_723, %get3A_724] {strides = array<i32>} : memref<400x64xf32, #tpu.memory_space<vmem>>, vector<1x16xf32>,
        %get3A_726 = vector.shape_cast %get3A_725 : vector<1x16xf32> to vector<16xf32>
        %add3A_727 = arith.addf %scan3A_713, %get3A_726 : vector<16xf32>
        %get3A_728 = arith.index_cast %add3A_717 : i32 to index
        %get3A_729 = arith.constant 32 : index
        %get3A_730 = tpu.vector_load %arg9[%get3A_728, %get3A_729] {strides = array<i32>} : memref<400x64xf32, #tpu.memory_space<vmem>>, vector<1x16xf32>,
        %get3A_731 = vector.shape_cast %get3A_730 : vector<1x16xf32> to vector<16xf32>
        %add3A_732 = arith.addf %scan3A_714, %get3A_731 : vector<16xf32>
        %get3A_733 = arith.index_cast %add3A_717 : i32 to index
        %get3A_734 = arith.constant 48 : index
        %get3A_735 = tpu.vector_load %arg9[%get3A_733, %get3A_734] {strides = array<i32>} : memref<400x64xf32, #tpu.memory_space<vmem>>, vector<1x16xf32>,
        %get3A_736 = vector.shape_cast %get3A_735 : vector<1x16xf32> to vector<16xf32>
        %add3A_737 = arith.addf %scan3A_715, %get3A_736 : vector<16xf32>
        scf.yield %add3A_722, %add3A_727, %add3A_732, %add3A_737 : vector<16xf32>, vector<16xf32>, vector<16xf32>, vector<16xf32>
      }
      %scan3A_467 = arith.constant 50 : i32
      %mul3A_468 = vector.broadcast %squeeze3A : f32 to vector<16xf32>
      %mul3A_469 = arith.mulf %scan3A_466#0, %mul3A_468 : vector<16xf32>
      %swap3A_470 = arith.constant 2 : i32
      %swap3A_471 = arith.index_cast %swap3A_470 : i32 to index
      %swap3A_472 = arith.constant 0 : index
      %swap3A_473 = tpu.vector_load %arg10[%swap3A_471, %swap3A_472] {strides = array<i32>} : memref<8x64xf32, #tpu.memory_space<vmem>>, vector<1x16xf32>,
      %swap3A_474 = vector.shape_cast %swap3A_473 : vector<1x16xf32> to vector<16xf32>
      %swap3A_475 = vector.shape_cast %mul3A_469 : vector<16xf32> to vector<1x16xf32>
      tpu.vector_store %arg10[%swap3A_471, %swap3A_472], %swap3A_475 {strides = array<i32>} : memref<8x64xf32, #tpu.memory_space<vmem>>, vector<1x16xf32>,
      %mul3A_476 = vector.broadcast %squeeze3A : f32 to vector<16xf32>
      %mul3A_477 = arith.mulf %scan3A_466#1, %mul3A_476 : vector<16xf32>
      %swap3A_478 = arith.constant 2 : i32
      %swap3A_479 = arith.index_cast %swap3A_478 : i32 to index
      %swap3A_480 = arith.constant 16 : index
      %swap3A_481 = tpu.vector_load %arg10[%swap3A_479, %swap3A_480] {strides = array<i32>} : memref<8x64xf32, #tpu.memory_space<vmem>>, vector<1x16xf32>,
      %swap3A_482 = vector.shape_cast %swap3A_481 : vector<1x16xf32> to vector<16xf32>
      %swap3A_483 = vector.shape_cast %mul3A_477 : vector<16xf32> to vector<1x16xf32>
      tpu.vector_store %arg10[%swap3A_479, %swap3A_480], %swap3A_483 {strides = array<i32>} : memref<8x64xf32, #tpu.memory_space<vmem>>, vector<1x16xf32>,
      %mul3A_484 = vector.broadcast %squeeze3A : f32 to vector<16xf32>
      %mul3A_485 = arith.mulf %scan3A_466#2, %mul3A_484 : vector<16xf32>
      %swap3A_486 = arith.constant 2 : i32
      %swap3A_487 = arith.index_cast %swap3A_486 : i32 to index
      %swap3A_488 = arith.constant 32 : index
      %swap3A_489 = tpu.vector_load %arg10[%swap3A_487, %swap3A_488] {strides = array<i32>} : memref<8x64xf32, #tpu.memory_space<vmem>>, vector<1x16xf32>,
      %swap3A_490 = vector.shape_cast %swap3A_489 : vector<1x16xf32> to vector<16xf32>
      %swap3A_491 = vector.shape_cast %mul3A_485 : vector<16xf32> to vector<1x16xf32>
      tpu.vector_store %arg10[%swap3A_487, %swap3A_488], %swap3A_491 {strides = array<i32>} : memref<8x64xf32, #tpu.memory_space<vmem>>, vector<1x16xf32>,
      %mul3A_492 = vector.broadcast %squeeze3A : f32 to vector<16xf32>
      %mul3A_493 = arith.mulf %scan3A_466#3, %mul3A_492 : vector<16xf32>
      %swap3A_494 = arith.constant 2 : i32
      %swap3A_495 = arith.index_cast %swap3A_494 : i32 to index
      %swap3A_496 = arith.constant 48 : index
      %swap3A_497 = tpu.vector_load %arg10[%swap3A_495, %swap3A_496] {strides = array<i32>} : memref<8x64xf32, #tpu.memory_space<vmem>>, vector<1x16xf32>,
      %swap3A_498 = vector.shape_cast %swap3A_497 : vector<1x16xf32> to vector<16xf32>
      %swap3A_499 = vector.shape_cast %mul3A_493 : vector<16xf32> to vector<1x16xf32>
      tpu.vector_store %arg10[%swap3A_495, %swap3A_496], %swap3A_499 {strides = array<i32>} : memref<8x64xf32, #tpu.memory_space<vmem>>, vector<1x16xf32>,
      %broadcast_in_dim3A_500 = arith.constant 0.000000e+00 : f32
      %broadcast_in_dim3A_501 = vector.broadcast %broadcast_in_dim3A_500 : f32 to vector<16xf32>
      %scan3A_502 = arith.constant 0 : i32
      %scan3A_503 = arith.constant 50 : i32
      %scan3A_504 = arith.addi %scan3A_502, %scan3A_503 : i32
      %scan3A_505 = arith.constant 1 : i32
      %scan3A_506:4 = scf.for %scan3A_711 = %scan3A_502 to %scan3A_504 step %scan3A_505 iter_args(%scan3A_712 = %broadcast_in_dim3A_501, %scan3A_713 = %broadcast_in_dim3A_501, %scan3A_714 = %broadcast_in_dim3A_501, %scan3A_715 = %broadcast_in_dim3A_501) -> (vector<16xf32>, vector<16xf32>, vector<16xf32>, vector<16xf32>)  : i32 {
        %add3A_716 = arith.constant 150 : i32
        %add3A_717 = arith.addi %add3A_716, %scan3A_711 : i32
        %get3A_718 = arith.index_cast %add3A_717 : i32 to index
        %get3A_719 = arith.constant 0 : index
        %get3A_720 = tpu.vector_load %arg9[%get3A_718, %get3A_719] {strides = array<i32>} : memref<400x64xf32, #tpu.memory_space<vmem>>, vector<1x16xf32>,
        %get3A_721 = vector.shape_cast %get3A_720 : vector<1x16xf32> to vector<16xf32>
        %add3A_722 = arith.addf %scan3A_712, %get3A_721 : vector<16xf32>
        %get3A_723 = arith.index_cast %add3A_717 : i32 to index
        %get3A_724 = arith.constant 16 : index
        %get3A_725 = tpu.vector_load %arg9[%get3A_723, %get3A_724] {strides = array<i32>} : memref<400x64xf32, #tpu.memory_space<vmem>>, vector<1x16xf32>,
        %get3A_726 = vector.shape_cast %get3A_725 : vector<1x16xf32> to vector<16xf32>
        %add3A_727 = arith.addf %scan3A_713, %get3A_726 : vector<16xf32>
        %get3A_728 = arith.index_cast %add3A_717 : i32 to index
        %get3A_729 = arith.constant 32 : index
        %get3A_730 = tpu.vector_load %arg9[%get3A_728, %get3A_729] {strides = array<i32>} : memref<400x64xf32, #tpu.memory_space<vmem>>, vector<1x16xf32>,
        %get3A_731 = vector.shape_cast %get3A_730 : vector<1x16xf32> to vector<16xf32>
        %add3A_732 = arith.addf %scan3A_714, %get3A_731 : vector<16xf32>
        %get3A_733 = arith.index_cast %add3A_717 : i32 to index
        %get3A_734 = arith.constant 48 : index
        %get3A_735 = tpu.vector_load %arg9[%get3A_733, %get3A_734] {strides = array<i32>} : memref<400x64xf32, #tpu.memory_space<vmem>>, vector<1x16xf32>,
        %get3A_736 = vector.shape_cast %get3A_735 : vector<1x16xf32> to vector<16xf32>
        %add3A_737 = arith.addf %scan3A_715, %get3A_736 : vector<16xf32>
        scf.yield %add3A_722, %add3A_727, %add3A_732, %add3A_737 : vector<16xf32>, vector<16xf32>, vector<16xf32>, vector<16xf32>
      }
      %scan3A_507 = arith.constant 50 : i32
      %mul3A_508 = vector.broadcast %squeeze3A : f32 to vector<16xf32>
      %mul3A_509 = arith.mulf %scan3A_506#0, %mul3A_508 : vector<16xf32>
      %swap3A_510 = arith.constant 3 : i32
      %swap3A_511 = arith.index_cast %swap3A_510 : i32 to index
      %swap3A_512 = arith.constant 0 : index
      %swap3A_513 = tpu.vector_load %arg10[%swap3A_511, %swap3A_512] {strides = array<i32>} : memref<8x64xf32, #tpu.memory_space<vmem>>, vector<1x16xf32>,
      %swap3A_514 = vector.shape_cast %swap3A_513 : vector<1x16xf32> to vector<16xf32>
      %swap3A_515 = vector.shape_cast %mul3A_509 : vector<16xf32> to vector<1x16xf32>
      tpu.vector_store %arg10[%swap3A_511, %swap3A_512], %swap3A_515 {strides = array<i32>} : memref<8x64xf32, #tpu.memory_space<vmem>>, vector<1x16xf32>,
      %mul3A_516 = vector.broadcast %squeeze3A : f32 to vector<16xf32>
      %mul3A_517 = arith.mulf %scan3A_506#1, %mul3A_516 : vector<16xf32>
      %swap3A_518 = arith.constant 3 : i32
      %swap3A_519 = arith.index_cast %swap3A_518 : i32 to index
      %swap3A_520 = arith.constant 16 : index
      %swap3A_521 = tpu.vector_load %arg10[%swap3A_519, %swap3A_520] {strides = array<i32>} : memref<8x64xf32, #tpu.memory_space<vmem>>, vector<1x16xf32>,
      %swap3A_522 = vector.shape_cast %swap3A_521 : vector<1x16xf32> to vector<16xf32>
      %swap3A_523 = vector.shape_cast %mul3A_517 : vector<16xf32> to vector<1x16xf32>
      tpu.vector_store %arg10[%swap3A_519, %swap3A_520], %swap3A_523 {strides = array<i32>} : memref<8x64xf32, #tpu.memory_space<vmem>>, vector<1x16xf32>,
      %mul3A_524 = vector.broadcast %squeeze3A : f32 to vector<16xf32>
      %mul3A_525 = arith.mulf %scan3A_506#2, %mul3A_524 : vector<16xf32>
      %swap3A_526 = arith.constant 3 : i32
      %swap3A_527 = arith.index_cast %swap3A_526 : i32 to index
      %swap3A_528 = arith.constant 32 : index
      %swap3A_529 = tpu.vector_load %arg10[%swap3A_527, %swap3A_528] {strides = array<i32>} : memref<8x64xf32, #tpu.memory_space<vmem>>, vector<1x16xf32>,
      %swap3A_530 = vector.shape_cast %swap3A_529 : vector<1x16xf32> to vector<16xf32>
      %swap3A_531 = vector.shape_cast %mul3A_525 : vector<16xf32> to vector<1x16xf32>
      tpu.vector_store %arg10[%swap3A_527, %swap3A_528], %swap3A_531 {strides = array<i32>} : memref<8x64xf32, #tpu.memory_space<vmem>>, vector<1x16xf32>,
      %mul3A_532 = vector.broadcast %squeeze3A : f32 to vector<16xf32>
      %mul3A_533 = arith.mulf %scan3A_506#3, %mul3A_532 : vector<16xf32>
      %swap3A_534 = arith.constant 3 : i32
      %swap3A_535 = arith.index_cast %swap3A_534 : i32 to index
      %swap3A_536 = arith.constant 48 : index
      %swap3A_537 = tpu.vector_load %arg10[%swap3A_535, %swap3A_536] {strides = array<i32>} : memref<8x64xf32, #tpu.memory_space<vmem>>, vector<1x16xf32>,
      %swap3A_538 = vector.shape_cast %swap3A_537 : vector<1x16xf32> to vector<16xf32>
      %swap3A_539 = vector.shape_cast %mul3A_533 : vector<16xf32> to vector<1x16xf32>
      tpu.vector_store %arg10[%swap3A_535, %swap3A_536], %swap3A_539 {strides = array<i32>} : memref<8x64xf32, #tpu.memory_space<vmem>>, vector<1x16xf32>,
      %broadcast_in_dim3A_540 = arith.constant 0.000000e+00 : f32
      %broadcast_in_dim3A_541 = vector.broadcast %broadcast_in_dim3A_540 : f32 to vector<16xf32>
      %scan3A_542 = arith.constant 0 : i32
      %scan3A_543 = arith.constant 50 : i32
      %scan3A_544 = arith.addi %scan3A_542, %scan3A_543 : i32
      %scan3A_545 = arith.constant 1 : i32
      %scan3A_546:4 = scf.for %scan3A_711 = %scan3A_542 to %scan3A_544 step %scan3A_545 iter_args(%scan3A_712 = %broadcast_in_dim3A_541, %scan3A_713 = %broadcast_in_dim3A_541, %scan3A_714 = %broadcast_in_dim3A_541, %scan3A_715 = %broadcast_in_dim3A_541) -> (vector<16xf32>, vector<16xf32>, vector<16xf32>, vector<16xf32>)  : i32 {
        %add3A_716 = arith.constant 200 : i32
        %add3A_717 = arith.addi %add3A_716, %scan3A_711 : i32
        %get3A_718 = arith.index_cast %add3A_717 : i32 to index
        %get3A_719 = arith.constant 0 : index
        %get3A_720 = tpu.vector_load %arg9[%get3A_718, %get3A_719] {strides = array<i32>} : memref<400x64xf32, #tpu.memory_space<vmem>>, vector<1x16xf32>,
        %get3A_721 = vector.shape_cast %get3A_720 : vector<1x16xf32> to vector<16xf32>
        %add3A_722 = arith.addf %scan3A_712, %get3A_721 : vector<16xf32>
        %get3A_723 = arith.index_cast %add3A_717 : i32 to index
        %get3A_724 = arith.constant 16 : index
        %get3A_725 = tpu.vector_load %arg9[%get3A_723, %get3A_724] {strides = array<i32>} : memref<400x64xf32, #tpu.memory_space<vmem>>, vector<1x16xf32>,
        %get3A_726 = vector.shape_cast %get3A_725 : vector<1x16xf32> to vector<16xf32>
        %add3A_727 = arith.addf %scan3A_713, %get3A_726 : vector<16xf32>
        %get3A_728 = arith.index_cast %add3A_717 : i32 to index
        %get3A_729 = arith.constant 32 : index
        %get3A_730 = tpu.vector_load %arg9[%get3A_728, %get3A_729] {strides = array<i32>} : memref<400x64xf32, #tpu.memory_space<vmem>>, vector<1x16xf32>,
        %get3A_731 = vector.shape_cast %get3A_730 : vector<1x16xf32> to vector<16xf32>
        %add3A_732 = arith.addf %scan3A_714, %get3A_731 : vector<16xf32>
        %get3A_733 = arith.index_cast %add3A_717 : i32 to index
        %get3A_734 = arith.constant 48 : index
        %get3A_735 = tpu.vector_load %arg9[%get3A_733, %get3A_734] {strides = array<i32>} : memref<400x64xf32, #tpu.memory_space<vmem>>, vector<1x16xf32>,
        %get3A_736 = vector.shape_cast %get3A_735 : vector<1x16xf32> to vector<16xf32>
        %add3A_737 = arith.addf %scan3A_715, %get3A_736 : vector<16xf32>
        scf.yield %add3A_722, %add3A_727, %add3A_732, %add3A_737 : vector<16xf32>, vector<16xf32>, vector<16xf32>, vector<16xf32>
      }
      %scan3A_547 = arith.constant 50 : i32
      %mul3A_548 = vector.broadcast %squeeze3A : f32 to vector<16xf32>
      %mul3A_549 = arith.mulf %scan3A_546#0, %mul3A_548 : vector<16xf32>
      %swap3A_550 = arith.constant 4 : i32
      %swap3A_551 = arith.index_cast %swap3A_550 : i32 to index
      %swap3A_552 = arith.constant 0 : index
      %swap3A_553 = tpu.vector_load %arg10[%swap3A_551, %swap3A_552] {strides = array<i32>} : memref<8x64xf32, #tpu.memory_space<vmem>>, vector<1x16xf32>,
      %swap3A_554 = vector.shape_cast %swap3A_553 : vector<1x16xf32> to vector<16xf32>
      %swap3A_555 = vector.shape_cast %mul3A_549 : vector<16xf32> to vector<1x16xf32>
      tpu.vector_store %arg10[%swap3A_551, %swap3A_552], %swap3A_555 {strides = array<i32>} : memref<8x64xf32, #tpu.memory_space<vmem>>, vector<1x16xf32>,
      %mul3A_556 = vector.broadcast %squeeze3A : f32 to vector<16xf32>
      %mul3A_557 = arith.mulf %scan3A_546#1, %mul3A_556 : vector<16xf32>
      %swap3A_558 = arith.constant 4 : i32
      %swap3A_559 = arith.index_cast %swap3A_558 : i32 to index
      %swap3A_560 = arith.constant 16 : index
      %swap3A_561 = tpu.vector_load %arg10[%swap3A_559, %swap3A_560] {strides = array<i32>} : memref<8x64xf32, #tpu.memory_space<vmem>>, vector<1x16xf32>,
      %swap3A_562 = vector.shape_cast %swap3A_561 : vector<1x16xf32> to vector<16xf32>
      %swap3A_563 = vector.shape_cast %mul3A_557 : vector<16xf32> to vector<1x16xf32>
      tpu.vector_store %arg10[%swap3A_559, %swap3A_560], %swap3A_563 {strides = array<i32>} : memref<8x64xf32, #tpu.memory_space<vmem>>, vector<1x16xf32>,
      %mul3A_564 = vector.broadcast %squeeze3A : f32 to vector<16xf32>
      %mul3A_565 = arith.mulf %scan3A_546#2, %mul3A_564 : vector<16xf32>
      %swap3A_566 = arith.constant 4 : i32
      %swap3A_567 = arith.index_cast %swap3A_566 : i32 to index
      %swap3A_568 = arith.constant 32 : index
      %swap3A_569 = tpu.vector_load %arg10[%swap3A_567, %swap3A_568] {strides = array<i32>} : memref<8x64xf32, #tpu.memory_space<vmem>>, vector<1x16xf32>,
      %swap3A_570 = vector.shape_cast %swap3A_569 : vector<1x16xf32> to vector<16xf32>
      %swap3A_571 = vector.shape_cast %mul3A_565 : vector<16xf32> to vector<1x16xf32>
      tpu.vector_store %arg10[%swap3A_567, %swap3A_568], %swap3A_571 {strides = array<i32>} : memref<8x64xf32, #tpu.memory_space<vmem>>, vector<1x16xf32>,
      %mul3A_572 = vector.broadcast %squeeze3A : f32 to vector<16xf32>
      %mul3A_573 = arith.mulf %scan3A_546#3, %mul3A_572 : vector<16xf32>
      %swap3A_574 = arith.constant 4 : i32
      %swap3A_575 = arith.index_cast %swap3A_574 : i32 to index
      %swap3A_576 = arith.constant 48 : index
      %swap3A_577 = tpu.vector_load %arg10[%swap3A_575, %swap3A_576] {strides = array<i32>} : memref<8x64xf32, #tpu.memory_space<vmem>>, vector<1x16xf32>,
      %swap3A_578 = vector.shape_cast %swap3A_577 : vector<1x16xf32> to vector<16xf32>
      %swap3A_579 = vector.shape_cast %mul3A_573 : vector<16xf32> to vector<1x16xf32>
      tpu.vector_store %arg10[%swap3A_575, %swap3A_576], %swap3A_579 {strides = array<i32>} : memref<8x64xf32, #tpu.memory_space<vmem>>, vector<1x16xf32>,
      %broadcast_in_dim3A_580 = arith.constant 0.000000e+00 : f32
      %broadcast_in_dim3A_581 = vector.broadcast %broadcast_in_dim3A_580 : f32 to vector<16xf32>
      %scan3A_582 = arith.constant 0 : i32
      %scan3A_583 = arith.constant 50 : i32
      %scan3A_584 = arith.addi %scan3A_582, %scan3A_583 : i32
      %scan3A_585 = arith.constant 1 : i32
      %scan3A_586:4 = scf.for %scan3A_711 = %scan3A_582 to %scan3A_584 step %scan3A_585 iter_args(%scan3A_712 = %broadcast_in_dim3A_581, %scan3A_713 = %broadcast_in_dim3A_581, %scan3A_714 = %broadcast_in_dim3A_581, %scan3A_715 = %broadcast_in_dim3A_581) -> (vector<16xf32>, vector<16xf32>, vector<16xf32>, vector<16xf32>)  : i32 {
        %add3A_716 = arith.constant 250 : i32
        %add3A_717 = arith.addi %add3A_716, %scan3A_711 : i32
        %get3A_718 = arith.index_cast %add3A_717 : i32 to index
        %get3A_719 = arith.constant 0 : index
        %get3A_720 = tpu.vector_load %arg9[%get3A_718, %get3A_719] {strides = array<i32>} : memref<400x64xf32, #tpu.memory_space<vmem>>, vector<1x16xf32>,
        %get3A_721 = vector.shape_cast %get3A_720 : vector<1x16xf32> to vector<16xf32>
        %add3A_722 = arith.addf %scan3A_712, %get3A_721 : vector<16xf32>
        %get3A_723 = arith.index_cast %add3A_717 : i32 to index
        %get3A_724 = arith.constant 16 : index
        %get3A_725 = tpu.vector_load %arg9[%get3A_723, %get3A_724] {strides = array<i32>} : memref<400x64xf32, #tpu.memory_space<vmem>>, vector<1x16xf32>,
        %get3A_726 = vector.shape_cast %get3A_725 : vector<1x16xf32> to vector<16xf32>
        %add3A_727 = arith.addf %scan3A_713, %get3A_726 : vector<16xf32>
        %get3A_728 = arith.index_cast %add3A_717 : i32 to index
        %get3A_729 = arith.constant 32 : index
        %get3A_730 = tpu.vector_load %arg9[%get3A_728, %get3A_729] {strides = array<i32>} : memref<400x64xf32, #tpu.memory_space<vmem>>, vector<1x16xf32>,
        %get3A_731 = vector.shape_cast %get3A_730 : vector<1x16xf32> to vector<16xf32>
        %add3A_732 = arith.addf %scan3A_714, %get3A_731 : vector<16xf32>
        %get3A_733 = arith.index_cast %add3A_717 : i32 to index
        %get3A_734 = arith.constant 48 : index
        %get3A_735 = tpu.vector_load %arg9[%get3A_733, %get3A_734] {strides = array<i32>} : memref<400x64xf32, #tpu.memory_space<vmem>>, vector<1x16xf32>,
        %get3A_736 = vector.shape_cast %get3A_735 : vector<1x16xf32> to vector<16xf32>
        %add3A_737 = arith.addf %scan3A_715, %get3A_736 : vector<16xf32>
        scf.yield %add3A_722, %add3A_727, %add3A_732, %add3A_737 : vector<16xf32>, vector<16xf32>, vector<16xf32>, vector<16xf32>
      }
      %scan3A_587 = arith.constant 50 : i32
      %mul3A_588 = vector.broadcast %squeeze3A : f32 to vector<16xf32>
      %mul3A_589 = arith.mulf %scan3A_586#0, %mul3A_588 : vector<16xf32>
      %swap3A_590 = arith.constant 5 : i32
      %swap3A_591 = arith.index_cast %swap3A_590 : i32 to index
      %swap3A_592 = arith.constant 0 : index
      %swap3A_593 = tpu.vector_load %arg10[%swap3A_591, %swap3A_592] {strides = array<i32>} : memref<8x64xf32, #tpu.memory_space<vmem>>, vector<1x16xf32>,
      %swap3A_594 = vector.shape_cast %swap3A_593 : vector<1x16xf32> to vector<16xf32>
      %swap3A_595 = vector.shape_cast %mul3A_589 : vector<16xf32> to vector<1x16xf32>
      tpu.vector_store %arg10[%swap3A_591, %swap3A_592], %swap3A_595 {strides = array<i32>} : memref<8x64xf32, #tpu.memory_space<vmem>>, vector<1x16xf32>,
      %mul3A_596 = vector.broadcast %squeeze3A : f32 to vector<16xf32>
      %mul3A_597 = arith.mulf %scan3A_586#1, %mul3A_596 : vector<16xf32>
      %swap3A_598 = arith.constant 5 : i32
      %swap3A_599 = arith.index_cast %swap3A_598 : i32 to index
      %swap3A_600 = arith.constant 16 : index
      %swap3A_601 = tpu.vector_load %arg10[%swap3A_599, %swap3A_600] {strides = array<i32>} : memref<8x64xf32, #tpu.memory_space<vmem>>, vector<1x16xf32>,
      %swap3A_602 = vector.shape_cast %swap3A_601 : vector<1x16xf32> to vector<16xf32>
      %swap3A_603 = vector.shape_cast %mul3A_597 : vector<16xf32> to vector<1x16xf32>
      tpu.vector_store %arg10[%swap3A_599, %swap3A_600], %swap3A_603 {strides = array<i32>} : memref<8x64xf32, #tpu.memory_space<vmem>>, vector<1x16xf32>,
      %mul3A_604 = vector.broadcast %squeeze3A : f32 to vector<16xf32>
      %mul3A_605 = arith.mulf %scan3A_586#2, %mul3A_604 : vector<16xf32>
      %swap3A_606 = arith.constant 5 : i32
      %swap3A_607 = arith.index_cast %swap3A_606 : i32 to index
      %swap3A_608 = arith.constant 32 : index
      %swap3A_609 = tpu.vector_load %arg10[%swap3A_607, %swap3A_608] {strides = array<i32>} : memref<8x64xf32, #tpu.memory_space<vmem>>, vector<1x16xf32>,
      %swap3A_610 = vector.shape_cast %swap3A_609 : vector<1x16xf32> to vector<16xf32>
      %swap3A_611 = vector.shape_cast %mul3A_605 : vector<16xf32> to vector<1x16xf32>
      tpu.vector_store %arg10[%swap3A_607, %swap3A_608], %swap3A_611 {strides = array<i32>} : memref<8x64xf32, #tpu.memory_space<vmem>>, vector<1x16xf32>,
      %mul3A_612 = vector.broadcast %squeeze3A : f32 to vector<16xf32>
      %mul3A_613 = arith.mulf %scan3A_586#3, %mul3A_612 : vector<16xf32>
      %swap3A_614 = arith.constant 5 : i32
      %swap3A_615 = arith.index_cast %swap3A_614 : i32 to index
      %swap3A_616 = arith.constant 48 : index
      %swap3A_617 = tpu.vector_load %arg10[%swap3A_615, %swap3A_616] {strides = array<i32>} : memref<8x64xf32, #tpu.memory_space<vmem>>, vector<1x16xf32>,
      %swap3A_618 = vector.shape_cast %swap3A_617 : vector<1x16xf32> to vector<16xf32>
      %swap3A_619 = vector.shape_cast %mul3A_613 : vector<16xf32> to vector<1x16xf32>
      tpu.vector_store %arg10[%swap3A_615, %swap3A_616], %swap3A_619 {strides = array<i32>} : memref<8x64xf32, #tpu.memory_space<vmem>>, vector<1x16xf32>,
      %broadcast_in_dim3A_620 = arith.constant 0.000000e+00 : f32
      %broadcast_in_dim3A_621 = vector.broadcast %broadcast_in_dim3A_620 : f32 to vector<16xf32>
      %scan3A_622 = arith.constant 0 : i32
      %scan3A_623 = arith.constant 50 : i32
      %scan3A_624 = arith.addi %scan3A_622, %scan3A_623 : i32
      %scan3A_625 = arith.constant 1 : i32
      %scan3A_626:4 = scf.for %scan3A_711 = %scan3A_622 to %scan3A_624 step %scan3A_625 iter_args(%scan3A_712 = %broadcast_in_dim3A_621, %scan3A_713 = %broadcast_in_dim3A_621, %scan3A_714 = %broadcast_in_dim3A_621, %scan3A_715 = %broadcast_in_dim3A_621) -> (vector<16xf32>, vector<16xf32>, vector<16xf32>, vector<16xf32>)  : i32 {
        %add3A_716 = arith.constant 300 : i32
        %add3A_717 = arith.addi %add3A_716, %scan3A_711 : i32
        %get3A_718 = arith.index_cast %add3A_717 : i32 to index
        %get3A_719 = arith.constant 0 : index
        %get3A_720 = tpu.vector_load %arg9[%get3A_718, %get3A_719] {strides = array<i32>} : memref<400x64xf32, #tpu.memory_space<vmem>>, vector<1x16xf32>,
        %get3A_721 = vector.shape_cast %get3A_720 : vector<1x16xf32> to vector<16xf32>
        %add3A_722 = arith.addf %scan3A_712, %get3A_721 : vector<16xf32>
        %get3A_723 = arith.index_cast %add3A_717 : i32 to index
        %get3A_724 = arith.constant 16 : index
        %get3A_725 = tpu.vector_load %arg9[%get3A_723, %get3A_724] {strides = array<i32>} : memref<400x64xf32, #tpu.memory_space<vmem>>, vector<1x16xf32>,
        %get3A_726 = vector.shape_cast %get3A_725 : vector<1x16xf32> to vector<16xf32>
        %add3A_727 = arith.addf %scan3A_713, %get3A_726 : vector<16xf32>
        %get3A_728 = arith.index_cast %add3A_717 : i32 to index
        %get3A_729 = arith.constant 32 : index
        %get3A_730 = tpu.vector_load %arg9[%get3A_728, %get3A_729] {strides = array<i32>} : memref<400x64xf32, #tpu.memory_space<vmem>>, vector<1x16xf32>,
        %get3A_731 = vector.shape_cast %get3A_730 : vector<1x16xf32> to vector<16xf32>
        %add3A_732 = arith.addf %scan3A_714, %get3A_731 : vector<16xf32>
        %get3A_733 = arith.index_cast %add3A_717 : i32 to index
        %get3A_734 = arith.constant 48 : index
        %get3A_735 = tpu.vector_load %arg9[%get3A_733, %get3A_734] {strides = array<i32>} : memref<400x64xf32, #tpu.memory_space<vmem>>, vector<1x16xf32>,
        %get3A_736 = vector.shape_cast %get3A_735 : vector<1x16xf32> to vector<16xf32>
        %add3A_737 = arith.addf %scan3A_715, %get3A_736 : vector<16xf32>
        scf.yield %add3A_722, %add3A_727, %add3A_732, %add3A_737 : vector<16xf32>, vector<16xf32>, vector<16xf32>, vector<16xf32>
      }
      %scan3A_627 = arith.constant 50 : i32
      %mul3A_628 = vector.broadcast %squeeze3A : f32 to vector<16xf32>
      %mul3A_629 = arith.mulf %scan3A_626#0, %mul3A_628 : vector<16xf32>
      %swap3A_630 = arith.constant 6 : i32
      %swap3A_631 = arith.index_cast %swap3A_630 : i32 to index
      %swap3A_632 = arith.constant 0 : index
      %swap3A_633 = tpu.vector_load %arg10[%swap3A_631, %swap3A_632] {strides = array<i32>} : memref<8x64xf32, #tpu.memory_space<vmem>>, vector<1x16xf32>,
      %swap3A_634 = vector.shape_cast %swap3A_633 : vector<1x16xf32> to vector<16xf32>
      %swap3A_635 = vector.shape_cast %mul3A_629 : vector<16xf32> to vector<1x16xf32>
      tpu.vector_store %arg10[%swap3A_631, %swap3A_632], %swap3A_635 {strides = array<i32>} : memref<8x64xf32, #tpu.memory_space<vmem>>, vector<1x16xf32>,
      %mul3A_636 = vector.broadcast %squeeze3A : f32 to vector<16xf32>
      %mul3A_637 = arith.mulf %scan3A_626#1, %mul3A_636 : vector<16xf32>
      %swap3A_638 = arith.constant 6 : i32
      %swap3A_639 = arith.index_cast %swap3A_638 : i32 to index
      %swap3A_640 = arith.constant 16 : index
      %swap3A_641 = tpu.vector_load %arg10[%swap3A_639, %swap3A_640] {strides = array<i32>} : memref<8x64xf32, #tpu.memory_space<vmem>>, vector<1x16xf32>,
      %swap3A_642 = vector.shape_cast %swap3A_641 : vector<1x16xf32> to vector<16xf32>
      %swap3A_643 = vector.shape_cast %mul3A_637 : vector<16xf32> to vector<1x16xf32>
      tpu.vector_store %arg10[%swap3A_639, %swap3A_640], %swap3A_643 {strides = array<i32>} : memref<8x64xf32, #tpu.memory_space<vmem>>, vector<1x16xf32>,
      %mul3A_644 = vector.broadcast %squeeze3A : f32 to vector<16xf32>
      %mul3A_645 = arith.mulf %scan3A_626#2, %mul3A_644 : vector<16xf32>
      %swap3A_646 = arith.constant 6 : i32
      %swap3A_647 = arith.index_cast %swap3A_646 : i32 to index
      %swap3A_648 = arith.constant 32 : index
      %swap3A_649 = tpu.vector_load %arg10[%swap3A_647, %swap3A_648] {strides = array<i32>} : memref<8x64xf32, #tpu.memory_space<vmem>>, vector<1x16xf32>,
      %swap3A_650 = vector.shape_cast %swap3A_649 : vector<1x16xf32> to vector<16xf32>
      %swap3A_651 = vector.shape_cast %mul3A_645 : vector<16xf32> to vector<1x16xf32>
      tpu.vector_store %arg10[%swap3A_647, %swap3A_648], %swap3A_651 {strides = array<i32>} : memref<8x64xf32, #tpu.memory_space<vmem>>, vector<1x16xf32>,
      %mul3A_652 = vector.broadcast %squeeze3A : f32 to vector<16xf32>
      %mul3A_653 = arith.mulf %scan3A_626#3, %mul3A_652 : vector<16xf32>
      %swap3A_654 = arith.constant 6 : i32
      %swap3A_655 = arith.index_cast %swap3A_654 : i32 to index
      %swap3A_656 = arith.constant 48 : index
      %swap3A_657 = tpu.vector_load %arg10[%swap3A_655, %swap3A_656] {strides = array<i32>} : memref<8x64xf32, #tpu.memory_space<vmem>>, vector<1x16xf32>,
      %swap3A_658 = vector.shape_cast %swap3A_657 : vector<1x16xf32> to vector<16xf32>
      %swap3A_659 = vector.shape_cast %mul3A_653 : vector<16xf32> to vector<1x16xf32>
      tpu.vector_store %arg10[%swap3A_655, %swap3A_656], %swap3A_659 {strides = array<i32>} : memref<8x64xf32, #tpu.memory_space<vmem>>, vector<1x16xf32>,
      %broadcast_in_dim3A_660 = arith.constant 0.000000e+00 : f32
      %broadcast_in_dim3A_661 = vector.broadcast %broadcast_in_dim3A_660 : f32 to vector<16xf32>
      %scan3A_662 = arith.constant 0 : i32
      %scan3A_663 = arith.constant 50 : i32
      %scan3A_664 = arith.addi %scan3A_662, %scan3A_663 : i32
      %scan3A_665 = arith.constant 1 : i32
      %scan3A_666:4 = scf.for %scan3A_711 = %scan3A_662 to %scan3A_664 step %scan3A_665 iter_args(%scan3A_712 = %broadcast_in_dim3A_661, %scan3A_713 = %broadcast_in_dim3A_661, %scan3A_714 = %broadcast_in_dim3A_661, %scan3A_715 = %broadcast_in_dim3A_661) -> (vector<16xf32>, vector<16xf32>, vector<16xf32>, vector<16xf32>)  : i32 {
        %add3A_716 = arith.constant 350 : i32
        %add3A_717 = arith.addi %add3A_716, %scan3A_711 : i32
        %get3A_718 = arith.index_cast %add3A_717 : i32 to index
        %get3A_719 = arith.constant 0 : index
        %get3A_720 = tpu.vector_load %arg9[%get3A_718, %get3A_719] {strides = array<i32>} : memref<400x64xf32, #tpu.memory_space<vmem>>, vector<1x16xf32>,
        %get3A_721 = vector.shape_cast %get3A_720 : vector<1x16xf32> to vector<16xf32>
        %add3A_722 = arith.addf %scan3A_712, %get3A_721 : vector<16xf32>
        %get3A_723 = arith.index_cast %add3A_717 : i32 to index
        %get3A_724 = arith.constant 16 : index
        %get3A_725 = tpu.vector_load %arg9[%get3A_723, %get3A_724] {strides = array<i32>} : memref<400x64xf32, #tpu.memory_space<vmem>>, vector<1x16xf32>,
        %get3A_726 = vector.shape_cast %get3A_725 : vector<1x16xf32> to vector<16xf32>
        %add3A_727 = arith.addf %scan3A_713, %get3A_726 : vector<16xf32>
        %get3A_728 = arith.index_cast %add3A_717 : i32 to index
        %get3A_729 = arith.constant 32 : index
        %get3A_730 = tpu.vector_load %arg9[%get3A_728, %get3A_729] {strides = array<i32>} : memref<400x64xf32, #tpu.memory_space<vmem>>, vector<1x16xf32>,
        %get3A_731 = vector.shape_cast %get3A_730 : vector<1x16xf32> to vector<16xf32>
        %add3A_732 = arith.addf %scan3A_714, %get3A_731 : vector<16xf32>
        %get3A_733 = arith.index_cast %add3A_717 : i32 to index
        %get3A_734 = arith.constant 48 : index
        %get3A_735 = tpu.vector_load %arg9[%get3A_733, %get3A_734] {strides = array<i32>} : memref<400x64xf32, #tpu.memory_space<vmem>>, vector<1x16xf32>,
        %get3A_736 = vector.shape_cast %get3A_735 : vector<1x16xf32> to vector<16xf32>
        %add3A_737 = arith.addf %scan3A_715, %get3A_736 : vector<16xf32>
        scf.yield %add3A_722, %add3A_727, %add3A_732, %add3A_737 : vector<16xf32>, vector<16xf32>, vector<16xf32>, vector<16xf32>
      }
      %scan3A_667 = arith.constant 50 : i32
      %mul3A_668 = vector.broadcast %squeeze3A : f32 to vector<16xf32>
      %mul3A_669 = arith.mulf %scan3A_666#0, %mul3A_668 : vector<16xf32>
      %swap3A_670 = arith.constant 7 : i32
      %swap3A_671 = arith.index_cast %swap3A_670 : i32 to index
      %swap3A_672 = arith.constant 0 : index
      %swap3A_673 = tpu.vector_load %arg10[%swap3A_671, %swap3A_672] {strides = array<i32>} : memref<8x64xf32, #tpu.memory_space<vmem>>, vector<1x16xf32>,
      %swap3A_674 = vector.shape_cast %swap3A_673 : vector<1x16xf32> to vector<16xf32>
      %swap3A_675 = vector.shape_cast %mul3A_669 : vector<16xf32> to vector<1x16xf32>
      tpu.vector_store %arg10[%swap3A_671, %swap3A_672], %swap3A_675 {strides = array<i32>} : memref<8x64xf32, #tpu.memory_space<vmem>>, vector<1x16xf32>,
      %mul3A_676 = vector.broadcast %squeeze3A : f32 to vector<16xf32>
      %mul3A_677 = arith.mulf %scan3A_666#1, %mul3A_676 : vector<16xf32>
      %swap3A_678 = arith.constant 7 : i32
      %swap3A_679 = arith.index_cast %swap3A_678 : i32 to index
      %swap3A_680 = arith.constant 16 : index
      %swap3A_681 = tpu.vector_load %arg10[%swap3A_679, %swap3A_680] {strides = array<i32>} : memref<8x64xf32, #tpu.memory_space<vmem>>, vector<1x16xf32>,
      %swap3A_682 = vector.shape_cast %swap3A_681 : vector<1x16xf32> to vector<16xf32>
      %swap3A_683 = vector.shape_cast %mul3A_677 : vector<16xf32> to vector<1x16xf32>
      tpu.vector_store %arg10[%swap3A_679, %swap3A_680], %swap3A_683 {strides = array<i32>} : memref<8x64xf32, #tpu.memory_space<vmem>>, vector<1x16xf32>,
      %mul3A_684 = vector.broadcast %squeeze3A : f32 to vector<16xf32>
      %mul3A_685 = arith.mulf %scan3A_666#2, %mul3A_684 : vector<16xf32>
      %swap3A_686 = arith.constant 7 : i32
      %swap3A_687 = arith.index_cast %swap3A_686 : i32 to index
      %swap3A_688 = arith.constant 32 : index
      %swap3A_689 = tpu.vector_load %arg10[%swap3A_687, %swap3A_688] {strides = array<i32>} : memref<8x64xf32, #tpu.memory_space<vmem>>, vector<1x16xf32>,
      %swap3A_690 = vector.shape_cast %swap3A_689 : vector<1x16xf32> to vector<16xf32>
      %swap3A_691 = vector.shape_cast %mul3A_685 : vector<16xf32> to vector<1x16xf32>
      tpu.vector_store %arg10[%swap3A_687, %swap3A_688], %swap3A_691 {strides = array<i32>} : memref<8x64xf32, #tpu.memory_space<vmem>>, vector<1x16xf32>,
      %mul3A_692 = vector.broadcast %squeeze3A : f32 to vector<16xf32>
      %mul3A_693 = arith.mulf %scan3A_666#3, %mul3A_692 : vector<16xf32>
      %swap3A_694 = arith.constant 7 : i32
      %swap3A_695 = arith.index_cast %swap3A_694 : i32 to index
      %swap3A_696 = arith.constant 48 : index
      %swap3A_697 = tpu.vector_load %arg10[%swap3A_695, %swap3A_696] {strides = array<i32>} : memref<8x64xf32, #tpu.memory_space<vmem>>, vector<1x16xf32>,
      %swap3A_698 = vector.shape_cast %swap3A_697 : vector<1x16xf32> to vector<16xf32>
      %swap3A_699 = vector.shape_cast %mul3A_693 : vector<16xf32> to vector<1x16xf32>
      tpu.vector_store %arg10[%swap3A_695, %swap3A_696], %swap3A_699 {strides = array<i32>} : memref<8x64xf32, #tpu.memory_space<vmem>>, vector<1x16xf32>,
      %ge3A_700 = arith.constant 64 : i32
      %ge3A_701 = arith.cmpi sge, %add3A_369, %ge3A_700 : i32
      %convert_element_type3A_702 = arith.extui %ge3A_701 : i1 to i32
      %mul3A_703 = arith.constant 64 : i32
      %mul3A_704 = arith.muli %convert_element_type3A_702, %mul3A_703 : i32
      %sub3A_705 = arith.subi %add3A_369, %mul3A_704 : i32
      %mul3A_706 = arith.constant 8 : i32
      %mul3A_707 = arith.muli %sub3A_705, %mul3A_706 : i32
      %add3A_708 = arith.addi %mul3A_4, %mul3A_707 : i32
      %mul3A_709 = arith.constant 64 : i32
      %mul3A_710 = arith.muli %convert_element_type3A_702, %mul3A_709 : i32
      "tpu.region"() ({
        %run_scoped3A = tpu.sem_alloc : memref<!tpu.dma_semaphore, #tpu.memory_space<semaphore_mem>>
        %dma_start3A_711 = tpu.memref_slice %arg5[%add3A_708, %mul3A_710] : memref<16384x128xf32, #tpu.memory_space<hbm>> -> memref<8x64xf32, #tpu.memory_space<hbm>>
        %dma_start3A_712 = tpu.memref_slice %arg5[%add3A_708, %mul3A_710] : memref<16384x128xf32, #tpu.memory_space<hbm>> -> memref<8x64xf32, #tpu.memory_space<hbm>>
        tpu.enqueue_dma source(%arg10 : memref<8x64xf32, #tpu.memory_space<vmem>>) target(%dma_start3A_712 : memref<8x64xf32, #tpu.memory_space<hbm>>) target_semaphore(%run_scoped3A : memref<!tpu.dma_semaphore, #tpu.memory_space<semaphore_mem>>)
        %dma_wait3A_713 = tpu.memref_slice %arg5[%add3A_708, %mul3A_710] : memref<16384x128xf32, #tpu.memory_space<hbm>> -> memref<8x64xf32, #tpu.memory_space<hbm>>
        %dma_wait3A_714 = tpu.memref_slice %arg5[%add3A_708, %mul3A_710] : memref<16384x128xf32, #tpu.memory_space<hbm>> -> memref<8x64xf32, #tpu.memory_space<hbm>>
        tpu.wait_dma2 semaphore(%run_scoped3A : memref<!tpu.dma_semaphore, #tpu.memory_space<semaphore_mem>>) src(%arg10 : memref<8x64xf32, #tpu.memory_space<vmem>>) dst(%dma_wait3A_714 : memref<8x64xf32, #tpu.memory_space<hbm>>)
        tpu.yield
      }) : () -> ()
    }
    %scan3A_24 = arith.constant 64 : i32
    return
  }
}

module attributes {stable_mosaic.version = 14 : i64} {
  func.func @body(%arg0: i32, %arg1: memref<64x2048xf32, #tpu.memory_space<vmem>>, %arg2: memref<1024x128xf32, #tpu.memory_space<vmem>>) attributes {dimension_semantics = [#tpu.dimension_semantics<arbitrary>], iteration_bounds = array<i64: 489>, scalar_prefetch = 0 : i64, scratch_operands = 0 : i64, tpu.core_type = #tpu.core_type<tc>, window_params = [{transform_indices = @transform_0, window_bounds = array<i64: 64, 2048>}, {transform_indices = @transform_1, window_bounds = array<i64: 1024, 128>}]} {
    %get3A = arith.constant 0 : index
    %get3A_0 = arith.constant 0 : index
    %get3A_1 = vector.load %arg1[%get3A, %get3A_0] : memref<64x2048xf32, #tpu.memory_space<vmem>>, vector<64x2048xf32>
    %transpose3A = tpu.transpose %get3A_1, [1, 0] : vector<64x2048xf32> -> vector<2048x64xf32>
    %slice3A = vector.extract_strided_slice %transpose3A {offsets = [0, 0], sizes = [1024, 64], strides = [1, 1]} : vector<2048x64xf32> to vector<1024x64xf32>
    %slice3A_2 = vector.extract_strided_slice %transpose3A {offsets = [1024, 0], sizes = [1024, 64], strides = [1, 1]} : vector<2048x64xf32> to vector<1024x64xf32>
    %concatenate3A = tpu.concatenate %slice3A, %slice3A_2 in 1 : vector<1024x64xf32>, vector<1024x64xf32> -> vector<1024x128xf32>
    %swap3A = arith.constant 0 : index
    %swap3A_3 = arith.constant 0 : index
    %swap3A_4 = vector.load %arg2[%swap3A, %swap3A_3] : memref<1024x128xf32, #tpu.memory_space<vmem>>, vector<1024x128xf32>
    tpu.vector_store %arg2[%swap3A, %swap3A_3], %concatenate3A {strides = array<i32>} : memref<1024x128xf32, #tpu.memory_space<vmem>>, vector<1024x128xf32>,
    return
  }
  func.func @transform_0(%arg0: i32) -> (i32, i32) {
    %c0_i32 = arith.constant 0 : i32
    %c0_i32_0 = arith.constant 0 : i32
    return %c0_i32, %arg0 : i32, i32
  }
  func.func @transform_1(%arg0: i32) -> (i32, i32) {
    %c0_i32 = arith.constant 0 : i32
    %c0_i32_0 = arith.constant 0 : i32
    return %arg0, %c0_i32 : i32, i32
  }
}

module attributes {stable_mosaic.version = 14 : i64} {
  func.func @body(%arg0: i32, %arg1: memref<2048x128xf32, #tpu.memory_space<vmem>>, %arg2: memref<128x128xf32, #tpu.memory_space<vmem>>, %arg3: memref<1x128xf32, #tpu.memory_space<vmem>>, %arg4: memref<128x128xf32, #tpu.memory_space<vmem>>, %arg5: memref<1x128xf32, #tpu.memory_space<vmem>>, %arg6: memref<128x128xf32, #tpu.memory_space<vmem>>, %arg7: memref<1x128xf32, #tpu.memory_space<vmem>>, %arg8: memref<2048x128xf32, #tpu.memory_space<vmem>>) attributes {dimension_semantics = [#tpu.dimension_semantics<arbitrary>], iteration_bounds = array<i64: 8>, scalar_prefetch = 0 : i64, scratch_operands = 0 : i64, tpu.core_type = #tpu.core_type<tc>, window_params = [{transform_indices = @transform_0, window_bounds = array<i64: 2048, 128>}, {pipeline_mode = #tpu.pipeline_mode<synchronous>, transform_indices = @transform_1, window_bounds = array<i64: 128, 128>}, {pipeline_mode = #tpu.pipeline_mode<synchronous>, transform_indices = @transform_2, window_bounds = array<i64: 1, 128>}, {pipeline_mode = #tpu.pipeline_mode<synchronous>, transform_indices = @transform_3, window_bounds = array<i64: 128, 128>}, {pipeline_mode = #tpu.pipeline_mode<synchronous>, transform_indices = @transform_4, window_bounds = array<i64: 1, 128>}, {pipeline_mode = #tpu.pipeline_mode<synchronous>, transform_indices = @transform_5, window_bounds = array<i64: 128, 128>}, {pipeline_mode = #tpu.pipeline_mode<synchronous>, transform_indices = @transform_6, window_bounds = array<i64: 1, 128>}, {transform_indices = @transform_7, window_bounds = array<i64: 2048, 128>}]} {
    %get3A = arith.constant 0 : index
    %get3A_0 = arith.constant 0 : index
    %get3A_1 = vector.load %arg1[%get3A, %get3A_0] : memref<2048x128xf32, #tpu.memory_space<vmem>>, vector<2048x128xf32>
    %get3A_2 = arith.constant 0 : index
    %get3A_3 = arith.constant 0 : index
    %get3A_4 = vector.load %arg2[%get3A_2, %get3A_3] : memref<128x128xf32, #tpu.memory_space<vmem>>, vector<128x128xf32>
    %dot_general3A = arith.constant dense<0.000000e+00> : vector<2048x128xf32>
    %dot_general3A_5 = tpu.matmul %get3A_1, %get3A_4, %dot_general3A {dimension_numbers = #tpu.dot_dimension_numbers<[1], [0], [0], [1], [0, 0, 1, 1], [], []>, transpose_lhs_hint = false} : vector<2048x128xf32>, vector<128x128xf32>, vector<2048x128xf32> -> vector<2048x128xf32>
    %get3A_6 = arith.constant 0 : index
    %get3A_7 = arith.constant 0 : index
    %get3A_8 = vector.load %arg3[%get3A_6, %get3A_7] : memref<1x128xf32, #tpu.memory_space<vmem>>, vector<1x128xf32>
    %add3A = vector.broadcast %get3A_8 : vector<1x128xf32> to vector<2048x128xf32>
    %add3A_9 = arith.addf %dot_general3A_5, %add3A : vector<2048x128xf32>
    %max3A = arith.constant 0.000000e+00 : f32
    %max3A_10 = vector.broadcast %max3A : f32 to vector<2048x128xf32>
    %max3A_11 = arith.maximumf %add3A_9, %max3A_10 : vector<2048x128xf32>
    %get3A_12 = arith.constant 0 : index
    %get3A_13 = arith.constant 0 : index
    %get3A_14 = vector.load %arg4[%get3A_12, %get3A_13] : memref<128x128xf32, #tpu.memory_space<vmem>>, vector<128x128xf32>
    %dot_general3A_15 = arith.constant dense<0.000000e+00> : vector<2048x128xf32>
    %dot_general3A_16 = tpu.matmul %max3A_11, %get3A_14, %dot_general3A_15 {dimension_numbers = #tpu.dot_dimension_numbers<[1], [0], [0], [1], [0, 0, 1, 1], [], []>, transpose_lhs_hint = false} : vector<2048x128xf32>, vector<128x128xf32>, vector<2048x128xf32> -> vector<2048x128xf32>
    %get3A_17 = arith.constant 0 : index
    %get3A_18 = arith.constant 0 : index
    %get3A_19 = vector.load %arg5[%get3A_17, %get3A_18] : memref<1x128xf32, #tpu.memory_space<vmem>>, vector<1x128xf32>
    %add3A_20 = vector.broadcast %get3A_19 : vector<1x128xf32> to vector<2048x128xf32>
    %add3A_21 = arith.addf %dot_general3A_16, %add3A_20 : vector<2048x128xf32>
    %max3A_22 = arith.constant 0.000000e+00 : f32
    %max3A_23 = vector.broadcast %max3A_22 : f32 to vector<2048x128xf32>
    %max3A_24 = arith.maximumf %add3A_21, %max3A_23 : vector<2048x128xf32>
    %get3A_25 = arith.constant 0 : index
    %get3A_26 = arith.constant 0 : index
    %get3A_27 = vector.load %arg6[%get3A_25, %get3A_26] : memref<128x128xf32, #tpu.memory_space<vmem>>, vector<128x128xf32>
    %dot_general3A_28 = arith.constant dense<0.000000e+00> : vector<2048x128xf32>
    %dot_general3A_29 = tpu.matmul %max3A_24, %get3A_27, %dot_general3A_28 {dimension_numbers = #tpu.dot_dimension_numbers<[1], [0], [0], [1], [0, 0, 1, 1], [], []>, transpose_lhs_hint = false} : vector<2048x128xf32>, vector<128x128xf32>, vector<2048x128xf32> -> vector<2048x128xf32>
    %get3A_30 = arith.constant 0 : index
    %get3A_31 = arith.constant 0 : index
    %get3A_32 = vector.load %arg7[%get3A_30, %get3A_31] : memref<1x128xf32, #tpu.memory_space<vmem>>, vector<1x128xf32>
    %add3A_33 = vector.broadcast %get3A_32 : vector<1x128xf32> to vector<2048x128xf32>
    %add3A_34 = arith.addf %dot_general3A_29, %add3A_33 : vector<2048x128xf32>
    %swap3A = arith.constant 0 : index
    %swap3A_35 = arith.constant 0 : index
    %swap3A_36 = vector.load %arg8[%swap3A, %swap3A_35] : memref<2048x128xf32, #tpu.memory_space<vmem>>, vector<2048x128xf32>
    tpu.vector_store %arg8[%swap3A, %swap3A_35], %add3A_34 {strides = array<i32>} : memref<2048x128xf32, #tpu.memory_space<vmem>>, vector<2048x128xf32>,
    return
  }
  func.func @transform_0(%arg0: i32) -> (i32, i32) {
    %c0_i32 = arith.constant 0 : i32
    %c0_i32_0 = arith.constant 0 : i32
    return %arg0, %c0_i32 : i32, i32
  }
  func.func @transform_1(%arg0: i32) -> (i32, i32) {
    %c0_i32 = arith.constant 0 : i32
    %c0_i32_0 = arith.constant 0 : i32
    %c0_i32_1 = arith.constant 0 : i32
    return %c0_i32, %c0_i32_0 : i32, i32
  }
  func.func @transform_2(%arg0: i32) -> (i32, i32) {
    %c0_i32 = arith.constant 0 : i32
    %c0_i32_0 = arith.constant 0 : i32
    %c0_i32_1 = arith.constant 0 : i32
    return %c0_i32, %c0_i32_0 : i32, i32
  }
  func.func @transform_3(%arg0: i32) -> (i32, i32) {
    %c0_i32 = arith.constant 0 : i32
    %c0_i32_0 = arith.constant 0 : i32
    %c0_i32_1 = arith.constant 0 : i32
    return %c0_i32, %c0_i32_0 : i32, i32
  }
  func.func @transform_4(%arg0: i32) -> (i32, i32) {
    %c0_i32 = arith.constant 0 : i32
    %c0_i32_0 = arith.constant 0 : i32
    %c0_i32_1 = arith.constant 0 : i32
    return %c0_i32, %c0_i32_0 : i32, i32
  }
  func.func @transform_5(%arg0: i32) -> (i32, i32) {
    %c0_i32 = arith.constant 0 : i32
    %c0_i32_0 = arith.constant 0 : i32
    %c0_i32_1 = arith.constant 0 : i32
    return %c0_i32, %c0_i32_0 : i32, i32
  }
  func.func @transform_6(%arg0: i32) -> (i32, i32) {
    %c0_i32 = arith.constant 0 : i32
    %c0_i32_0 = arith.constant 0 : i32
    %c0_i32_1 = arith.constant 0 : i32
    return %c0_i32, %c0_i32_0 : i32, i32
  }
  func.func @transform_7(%arg0: i32) -> (i32, i32) {
    %c0_i32 = arith.constant 0 : i32
    %c0_i32_0 = arith.constant 0 : i32
    return %arg0, %c0_i32 : i32, i32
  }
}

</mosaic_0001>

<sc_bundles>
// kernel: kernel.5.cloned.1.call-start
scs
__scs_entry_jumppad:
0x0: {  	(pc) =	sbr.rel $0x88, $3  }
0x1: {  	(tag) =	ssettag $0x0;
	lr =	simm.s32 $0x1  }
0x2: {  	[smem:$0x3F98] =	sst lr;
	_ =	strace $0xD0000000  }
0x3: {  	_ = 	snop  }
0x4: {  	_ = 	snop  }
0x5: {  	_ = 	snop  }
0x6: {  	_ = 	snop  }
0x7: {  	_ = 	snop  }
__scs_overlays_trampoline_lowered:
0x8: {  	[smem:$0x3FA7] =	sst s0  }
0x9: {  	[smem:$0x3FA8] =	sst s1  }
0xa: {  	[smem:$0x3FA9] =	sst s2  }
0xb: {  	[smem:$0x3FAA] =	sst s3  }
0xc: {  	[smem:$0x3FAB] =	sst s4  }
0xd: {  	[smem:$0x3FAC] =	sst s5  }
0xe: {  	[smem:$0x3FAD] =	sst s6  }
0xf: {  	[smem:$0x3FAE] =	sst s7  }
0x10: {  	[smem:$0x3FAF] =	sst s8  }
0x11: {  	[smem:$0x3FB0] =	sst s9;
	s0 =	simm.s32 @!p0 $0x0  }
0x12: {  	s1 =	sld [smem:$0x3F96];
	s0 =	simm.s32 @p0 $0x1  }
0x13: {  	[smem:$0x3FB1] =	sst s0;
	s0 =	simm.s32 @!p1 $0x0  }
0x14: {  	s2 =	sld [smem:$0x3F95];
	s0 =	simm.s32 @p1 $0x1  }
0x15: {  	[smem:$0x3FB2] =	sst s0;
	s0 =	simm.s32 @!p2 $0x0  }
0x16: {  	s3 =	sld [smem:$0x3FDB];
	s0 =	simm.s32 @p2 $0x1  }
0x17: {  	s4 =	simm.s32 $0x1BF5;
	[smem:$0x3FB4] =	sst s0  }
0x18: {  	s0 =	sld [smem:$0x3F97];
	_ =	swait.ge [sflag:s4], $0x0  }
0x19: {  	s7 =	sld [smem:$0x3F98]  }
0x1a: {  	s8 =	sadd.s32 $0xFFFFE003, lr  }
0x1b: {  	s9 =	sadd.s32 $0xFFFFFEF7, lr;
	s5 =	simm.s32 $0xFFFFFFFF;
	p2 =	slt.u32 s8, $0xFFFFF086  }
0x1c: {  	p1 =	slt.u32 s9, $0xF7A;
	s5 =	simm.s32 @!p2 $0x0  }
0x1d: {  	s5 =	simm.s32 @p1 $0x1;
	p0 =	seq.s32 s7, s2  }
0x1e: {  	s7 =	smul.u32 @!p0 $0xF7A, s2;
	p2 =	seq.s32 @!p0 s5, $0x0  }
0x1f: {  	s9 =	smul.u32 $0xF7A, s1;
	s8 =	simm.s32 @!p0 $0x1BF5;
	p2 =	por !p2, p0  }
0x20: {  	[sflag:s8] =	ssyncset.s32 @!p0 $0xFFFFF086;
	s6 =	sadd.s32 @!p0 s3, s7;
	s7 =	simm.s32 @!p0 $0x108  }
0x21: {  	s3 =	sadd.s32 s3, s9;
	s6 =	sadd.s32 @!p0 $0x88, s6;
	s7 =	simm.s32 @p2 $0x1082  }
0x22: {  	[simem:s7], [sflag:s8] =	dma.local @!p0 [hbm:s6], $0xF7A  }
0x23: {  	s9 =	sor.u32 $0xD0000000, s2;
	s6 =	simm.s32 $0x108;
	_ =	swait.ge @!p0 [sflag:s8], $0x0  }
0x24: {  	s3 =	sadd.s32 $0x88, s3;
	s6 =	simm.s32 @!p1 $0x1082;
	[sflag:s4] =	ssyncset.s32 $0xFFFFF086  }
0x25: {  	[simem:s6], [sflag:s4] =	dma.local [hbm:s3], $0xF7A  }
0x26: {  	[smem:$0x3F98] =	sst s1;
	(tag) =	ssettag s2;
	_ =	strace s9  }
0x27: {  	s1 =	sld [smem:$0x3FA8]  }
0x28: {  	s2 =	sld [smem:$0x3FA9]  }
0x29: {  	s4 =	sld [smem:$0x3FAB]  }
0x2a: {  	p0 =	seq.s32 s5, $0x0;
	s5 =	sld [smem:$0x3FAC]  }
0x2b: {  	s6 =	sld [smem:$0x3FAD]  }
0x2c: {  	s7 =	sld [smem:$0x3FAE]  }
0x2d: {  	s3 =	simm.s32 $0x108;
	s8 =	sld [smem:$0x3FAF]  }
0x2e: {  	s3 =	simm.s32 @!p0 $0x1082;
	s9 =	sld [smem:$0x3FB0]  }
0x2f: {  	lr =	sadd.s32 s0, s3;
	s0 =	sld [smem:$0x3FA7]  }
0x30: {  	s3 =	sld [smem:$0x3FAA]  }
0x31: {  	[smem:$0x3FB3] =	sst s10  }
0x32: {  	s10 =	sld [smem:$0x3FB1];
	_ =	sdelay $0x3  }
0x33: {  	p0 =	seq.s32 s10, $0x1;
	s10 =	sld [smem:$0x3FB3];
	_ =	sdelay $0x3  }
0x34: {  	[smem:$0x3FB3] =	sst s10  }
0x35: {  	s10 =	sld [smem:$0x3FB2];
	_ =	sdelay $0x3  }
0x36: {  	p1 =	seq.s32 s10, $0x1;
	s10 =	sld [smem:$0x3FB3];
	_ =	sdelay $0x3  }
0x37: {  	[smem:$0x3FB3] =	sst s10  }
0x38: {  	s10 =	sld [smem:$0x3FB4]  }
0x39: {  	_ = 	snop;
	(pc) =	sbr.ind lr, $3  }
0x3a: {  	_ = 	snop  }
0x3b: {  	_ = 	snop  }
0x3c: {  	p2 =	seq.s32 s10, $0x1;
	s10 =	sld [smem:$0x3FB3]  }
0x3d: {  	_ =	shalt  }
0x3e: {  	_ =	shalt  }
0x3f: {  	_ =	shalt  }
0x40: {  	_ =	shalt  }
0x41: {  	_ =	shalt  }
0x42: {  	_ =	shalt  }
0x43: {  	_ =	shalt  }
0x44: {  	_ =	shalt  }
0x45: {  	_ =	shalt  }
0x46: {  	_ =	shalt  }
0x47: {  	_ =	shalt  }
0x48: {  	_ =	shalt  }
0x49: {  	_ =	shalt  }
0x4a: {  	_ =	shalt  }
0x4b: {  	_ =	shalt  }
0x4c: {  	_ =	shalt  }
0x4d: {  	_ =	shalt  }
0x4e: {  	_ =	shalt  }
0x4f: {  	_ =	shalt  }
0x50: {  	_ =	shalt  }
0x51: {  	_ =	shalt  }
0x52: {  	_ =	shalt  }
0x53: {  	_ =	shalt  }
0x54: {  	_ =	shalt  }
0x55: {  	_ =	shalt  }
0x56: {  	_ =	shalt  }
0x57: {  	_ =	shalt  }
0x58: {  	_ =	shalt  }
0x59: {  	_ =	shalt  }
0x5a: {  	_ =	shalt  }
0x5b: {  	_ =	shalt  }
0x5c: {  	_ =	shalt  }
0x5d: {  	_ =	shalt  }
0x5e: {  	_ =	shalt  }
0x5f: {  	_ =	shalt  }
0x60: {  	_ =	shalt  }
0x61: {  	_ =	shalt  }
0x62: {  	_ =	shalt  }
0x63: {  	_ =	shalt  }
0x64: {  	_ =	shalt  }
0x65: {  	_ =	shalt  }
0x66: {  	_ =	shalt  }
0x67: {  	_ =	shalt  }
0x68: {  	_ =	shalt  }
0x69: {  	_ =	shalt  }
0x6a: {  	_ =	shalt  }
0x6b: {  	_ =	shalt  }
0x6c: {  	_ =	shalt  }
0x6d: {  	_ =	shalt  }
0x6e: {  	_ =	shalt  }
0x6f: {  	_ =	shalt  }
0x70: {  	_ =	shalt  }
0x71: {  	_ =	shalt  }
0x72: {  	_ =	shalt  }
0x73: {  	_ =	shalt  }
0x74: {  	_ =	shalt  }
0x75: {  	_ =	shalt  }
0x76: {  	_ =	shalt  }
0x77: {  	_ =	shalt  }
0x78: {  	_ =	shalt  }
0x79: {  	_ =	shalt  }
0x7a: {  	_ =	shalt  }
0x7b: {  	_ =	shalt  }
0x7c: {  	_ =	shalt  }
0x7d: {  	_ =	shalt  }
0x7e: {  	_ =	shalt  }
0x7f: {  	_ =	shalt  }
0x80: {  	_ =	shalt  }
0x81: {  	_ =	shalt  }
0x82: {  	_ =	shalt  }
0x83: {  	_ =	shalt  }
0x84: {  	_ =	shalt  }
0x85: {  	_ =	shalt  }
0x86: {  	_ =	shalt  }
0x87: {  	_ =	shalt  }
.Lfunc_end0:
.L_simem_size_0:
called_computation_lowered:
.L_overlay_start_0:
0x88: {  	s2 =	sld [smem:$0x3FD9]  }
0x89: {  	s3 =	sld [smem:$0x3FFE];
	_ =	sdelay $0x1  }
0x8a: {  	s1 =	srdreg.scid  }
0x8b: {  	s0 =	sand.u32 $0x1, s1  }
0x8c: {  	s17 =	sshll.u32 s0, $0xA;
	s2 =	sadd.s32 s3, s2  }
0x8d: {  	s2 =	sadd.s32 s2, s17  }
0x8e: {  	[smem:$0x3FBF] =	sst s2  }
0x8f: {  	_ = 	snop  }
0x90: {  	s2 =	sld [smem:$0x3FD0];
	(tm) =	ssettm $0x1  }
0x91: {  	s18 =	sld [smem:$0x3FFB];
	_ =	sdelay $0x3  }
0x92: {  	_ =	strace s18  }
0x93: {  	s3 =	sld [smem:$0x3FFC];
	_ =	sdelay $0x3  }
0x94: {  	_ =	strace s3  }
0x95: {  	s3 =	sld [smem:$0x3FFD];
	_ =	sdelay $0x3  }
0x96: {  	_ =	strace s3  }
0x97: {  	_ =	strace $0x8FFFFFFF  }
0x98: {  	s19 =	sld [smem:$0x3FDB];
	_ =	sdelay $0x1  }
0x99: {  	s4 =	simm.s32 $_scs_section_size  }
0x9a: {  	s5 =	simm.s32 $_size__tile_overlayer_lowered;
	s6 =	simm.s32 $_tile_overlayer_lowered  }
0x9b: {  	s22 =	simm.s32 $0x1BFF;
	s21 =	sshll.u32 s6, $0x1;
	s3 =	sadd.s32 s4, s19  }
0x9c: {  	s7 =	simm.s32 $0x0;
	s20 =	sshll.u32 s5, $0x1;
	s5 =	sadd.s32 s21, s3  }
0x9d: {  	[timem:s7], [sflag:s22] =	dma.local [hbm:s5], s20  }
0x9e: {  	_ =	swait.ge [sflag:s22], s20  }
0x9f: {  	s4 =	ssub.s32 $0x0, s20;
	[sflag:s22] =	ssyncset.done $0x0  }
0xa0: {  	[sflag:s22] =	ssyncadd.s32 s4;
	_ =	sdelay $0x1  }
0xa1: {  	s23 =	simm.s32 $0x1B8B  }
0xa2: {  	_ =	swait.ge [sflag:s23], $0x1  }
0xa3: {  	[sflag:s23] =	ssyncset.done $0x0  }
0xa4: {  	s25 =	simm.s32 $0x1B8E;
	s24 =	sld [smem:$0x3FFE];
	[sflag:s23] =	ssyncadd.s32 $0xFFFFFFFF  }
0xa5: {  	s26 =	simm.s32 $execute0_lowered;
	[smem:$0x3FD2] =	sst s25  }
0xa6: {  	s5 =	sshll.u32 s26, $0x1;
	_ =	strace $0x80000046;
	[dreg:$0x1] =	wrdreg $0xFFFFFFFF  }
0xa7: {  	s28 =	simm.s32 $_size_execute0_lowered;
	s3 =	sadd.s32 s3, s5;
	[dreg:$0x0] =	wrdreg $0x0  }
0xa8: {  	s5 =	sshll.u32 s28, $0x1;
	[dreg:$0x2] =	wrdreg s3  }
0xa9: {  	[dreg:$0x3] =	wrdreg s5  }
0xaa: {  	[dreg:$0x4] =	wrdreg $0xC0  }
0xab: {  	_ =	task [dreg:s7], $0x5FFFF  }
0xac: {  	[dreg:$0x1] =	wrdreg $0xFFFFFFFF  }
0xad: {  	[dreg:$0x0] =	wrdreg $0x60  }
0xae: {  	[dreg:$0x2] =	wrdreg s24  }
0xaf: {  	[dreg:$0x3] =	wrdreg s2  }
0xb0: {  	[dreg:$0x4] =	wrdreg $0x9  }
0xb1: {  	_ =	task.clear_ibuf [dreg:s7], $0x5FFFF;
	_ =	strace $0x90000046  }
0xb2: {  	s29 =	simm.s32 $0x9;
	_ =	strace $0x80000048  }
0xb3: {  	_ =	swait.ge [sflag:s29], $0x1  }
0xb4: {  	[sflag:s29] =	ssyncadd.s32 $0xFFFFFFFF  }
0xb5: {  	_ =	strace $0x90000048  }
0xb6: {  	_ =	sfence  }
0xb7: {  	s30 =	sld [smem:$0x0];
	_ =	sdelay $0x2  }
0xb8: {  	s31 =	sshll.u32 s1, $0xD;
	s1 =	sshrl.u32 s1, $0x2  }
0xb9: {  	s3 =	sand.u32 $0x4000, s31;
	s1 =	sadd.s32 s1, s30  }
0xba: {  	s0 =	sor.u32 s3, s0;
	s1 =	sshll.u32 s1, $0x11  }
0xbb: {  	s0 =	sor.u32 s1, s0  }
0xbc: {  	s0 =	sadd.s32 $0x8F2B, s0  }
0xbd: {  	[sflag:s0] =	ssyncadd.remote.s32 $0x1  }
0xbe: {  	_ =	sfence.sel $0xFFFF  }
0xbf: {  	[dreg:$0x0] =	wrdreg $0xFFFFFFFF;
	(pc) =	sbr.abs _section_cstart, $3  }
0xc0: {  	[dreg:$0x1] =	wrdreg $0xFFFFFFFF  }
0xc1: {  	_ =	task.clear_ibuf [dreg:s7], $0x2FFFF;
	_ =	strace $0x9FFFFFFF  }
0xc2: {  	(tm) =	ssettm $0x7FFFFFFF  }
0xc3: {  	_ =	shalt  }
tec
execute0_lowered:
.L_overlay_start_1:
0x0: {  	(tag) =	ssettag $0x1  }
0x1: {  	s6 =	rddreg [dreg:$0x0]  }
0x2: {  	s2 =	rddreg [dreg:$0x1]  }
0x3: {  	s0 =	rddreg [dreg:$0x2]  }
0x4: {  	s3 =	simm.s32 $0x0;
	s4 =	srdreg.scid;
	s1 =	stileid.u32  }
0x5: {  	s12 =	simm.s32 $0x3;
	s13 =	simm.s32 $0x190;
	s14 =	simm.s32 $0x320  }
0x6: {  	s15 =	simm.s32 $0x6720;
	s16 =	simm.s32 $0x1;
	s17 =	simm.s32 $0x40  }
0x7: {  	s18 =	simm.s32 $0x80;
	s19 =	simm.s32 $0xCB20;
	s20 =	simm.s32 $0x2  }
0x8: {  	s21 =	simm.s32 $0x0;
	[smem:$0x7FF] =	sst s3;
	s4 =	sand.u32 $0x1, s4  }
0x9: {  	s5 =	sshll.u32 s1, $0x1;
	_ =	strace $0x80000047;
	s7 =	ssub.s32 $0x2, s4  }
0xa: {  	s9 =	sor.u32 s4, s5;
	s4 =	sadd.s32 $0x1600, s6;
	s5 =	sadd.s32 $0x33600, s6  }
0xb: {  	s6 =	sadd.s32 $0x7D7600, s6;
	s8 =	sshrl.u32 s7, $0x1;
	s10 =	smul.u32 $0xC80, s9  }
0xc: {  	s11 =	ssub.s32 s7, s8;
	s7 =	sshll.u32 s9, $0x9;
	s9 =	sshll.u32 s9, $0x10  }
0xd: {  	s8 =	sadd.s32 s4, s10;
	s10 =	smax.u32 s11, $0x1;
	s11 =	simm.s32 $0xCD20  }
.LBB2_1:
0xe: {  	[tilespmem:s11], [sflag:$0x3] =	stream.linear.gather [hbm4b:s2+s3], $0x1, $0x38;
	[tilespmem:$0xCD30] =	vst v63  }
0xf: {  	_ =	swait.ge [sflag:s12], $0x1  }
0x10: {  	[sflag:s12] =	ssyncset.done $0x0  }
0x11: {  	[sflag:s12] =	ssyncadd.s32 $0xFFFFFFFF  }
0x12: {  	v0 =	vld.msk [tilespmem:$0xCD20 ss:$0x0], $0xffff;
	[tilespmem:s3], [sflag:$0x3] =	stream.linear.gather [hbm4b:s8+s3], $0x190, $0x38  }
0x13: {  	_ =	swait.ge [sflag:s12], $0x190  }
0x14: {  	[sflag:s12] =	ssyncset.done $0x0  }
0x15: {  	s22 =	simm.s32 $0x0;
	[sflag:s12] =	ssyncadd.s32 $0xFFFFFE70  }
0x16: {  	[tilespmem:s14], [sflag:$0x1] =	stream.indirect.gather [hbm4b:s5+s13], $0x40, s3, s13, $0xb8;
	[tilespmem:$0xCD30] =	vst v63  }
.LBB2_2:
0x17: {  	p0 =	sgt.u32 s22, $0x1F;
	s24 =	simm.s32 $0x1FFFFFC0  }
0x18: {  	s23 =	sshllo.u32 s22, $0x1;
	s24 =	simm.s32 @!p0 $0x0  }
0x19: {  	s24 =	sadd.s32 s23, s24  }
0x1a: {  	s24 =	sshll.u32 s24, $0x3  }
0x1b: {  	s24 =	sadd.s32 s7, s24  }
0x1c: {  	s25 =	simm.s32 $0xC8000;
	s24 =	smul.u32 $0x32, s24  }
0x1d: {  	s25 =	simm.s32 @!p0 $0x0  }
0x1e: {  	s24 =	sadd.s32 s25, s24  }
0x1f: {  	s24 =	sshrl.u32 s24, $0x3  }
0x20: {  	s31 =	simm.s32 $0x0;
	s24 =	sadd.s32 s4, s24  }
0x21: {  	[tilespmem:s13], [sflag:$0x3] =	stream.linear.gather [hbm4b:s24+s31], $0x190, $0x38;
	[tilespmem:$0xCD30] =	vst v63  }
0x22: {  	_ =	swait.ge [sflag:s12], $0x190  }
0x23: {  	[sflag:s12] =	ssyncset.done $0x0  }
0x24: {  	[sflag:s12] =	ssyncadd.s32 $0xFFFFFE70  }
0x25: {  	[tilespmem:s15], [sflag:$0x2] =	stream.indirect.gather [hbm4b:s5+s13], $0x40, s13, s13, $0xb8;
	[tilespmem:$0xCD30] =	vst v63  }
0x26: {  	_ =	swait.ge [sflag:s16], $0x6400  }
0x27: {  	[sflag:s16] =	ssyncset.done $0x0  }
0x28: {  	s26 =	simm.s32 $0x0;
	[sflag:s16] =	ssyncadd.s32 $0xFFFF9C00  }
0x29: {  	v2 =	vld [tilespmem:s26+$0x350]  }
0x2a: {  	v3 =	vld [tilespmem:s26+$0x320]  }
0x2b: {  	v1 =	vimm.f32 $0.0e+00;
	v4 =	vld [tilespmem:s26+$0x330]  }
0x2c: {  	v6 =	vimm.f32 $0.0e+00;
	v7 =	vimm.f32 $0.0e+00;
	v8 =	vimm.f32 $0.0e+00;
	s25 =	sshll.u32 s22, $0x1;
	s24 =	simm.s32 $0x100;
	v5 =	vld [tilespmem:s26+$0x340]  }
.LBB2_3:
0x2d: {  	p0 =	sne.s32 s24, $0x3100  }
.Ltmp0:
0x2e: {  	s26 =	sshra.s32 s24, $0x2;
	s24 =	sadd.s32 $0x100, s24;
	v1 =	vadd.f32 v2, v1;
	(pc) =	sbr.rel @p0 .LBB2_3-.Ltmp0, $4  }
0x2f: {  	v2 =	vld [tilespmem:s26+$0x350];
	v6 =	vadd.f32 v3, v6  }
0x30: {  	v3 =	vld [tilespmem:s26+$0x320];
	v7 =	vadd.f32 v4, v7  }
0x31: {  	v4 =	vld [tilespmem:s26+$0x330];
	v8 =	vadd.f32 v5, v8  }
0x32: {  	v5 =	vld [tilespmem:s26+$0x340]  }
0x33: {  	_ = 	snop  }
0x34: {  	v1 =	vadd.f32 v2, v1  }
0x35: {  	v3 =	vadd.f32 v3, v6  }
0x36: {  	v4 =	vadd.f32 v4, v7;
	v1 =	vmul.f32 v1, v0  }
0x37: {  	v5 =	vadd.f32 v5, v8;
	v3 =	vmul.f32 v3, v0  }
0x38: {  	v2 =	vmul.f32 v4, v0;
	[tilespmem:$0xCB50] =	vst v1  }
0x39: {  	[tilespmem:$0xCB20] =	vst v3;
	v3 =	vmul.f32 v5, v0  }
0x3a: {  	[tilespmem:$0xCB30] =	vst v2  }
0x3b: {  	s26 =	simm.s32 $0x0;
	[tilespmem:$0xCB40] =	vst v3  }
0x3c: {  	v2 =	vld [tilespmem:s26+$0xFD0]  }
0x3d: {  	v3 =	vld [tilespmem:s26+$0xFA0]  }
0x3e: {  	v6 =	vimm.f32 $0.0e+00;
	v4 =	vld [tilespmem:s26+$0xFB0]  }
0x3f: {  	s24 =	simm.s32 $0x100;
	v7 =	vimm.f32 $0.0e+00;
	v8 =	vimm.f32 $0.0e+00;
	v1 =	vimm.f32 $0.0e+00;
	v5 =	vld [tilespmem:s26+$0xFC0]  }
.LBB2_5:
0x40: {  	p0 =	sne.s32 s24, $0x3100  }
.Ltmp1:
0x41: {  	s26 =	sshra.s32 s24, $0x2;
	s24 =	sadd.s32 $0x100, s24;
	v1 =	vadd.f32 v2, v1;
	(pc) =	sbr.rel @p0 .LBB2_5-.Ltmp1, $4  }
0x42: {  	v2 =	vld [tilespmem:s26+$0xFD0];
	v6 =	vadd.f32 v3, v6  }
0x43: {  	v3 =	vld [tilespmem:s26+$0xFA0];
	v7 =	vadd.f32 v4, v7  }
0x44: {  	v4 =	vld [tilespmem:s26+$0xFB0];
	v8 =	vadd.f32 v5, v8  }
0x45: {  	v5 =	vld [tilespmem:s26+$0xFC0]  }
0x46: {  	_ = 	snop  }
0x47: {  	v1 =	vadd.f32 v2, v1  }
0x48: {  	v3 =	vadd.f32 v3, v6  }
0x49: {  	v4 =	vadd.f32 v4, v7;
	v1 =	vmul.f32 v1, v0  }
0x4a: {  	v5 =	vadd.f32 v5, v8;
	v3 =	vmul.f32 v3, v0  }
0x4b: {  	v2 =	vmul.f32 v4, v0;
	[tilespmem:$0xCB90] =	vst v1  }
0x4c: {  	[tilespmem:$0xCB60] =	vst v3;
	v3 =	vmul.f32 v5, v0  }
0x4d: {  	[tilespmem:$0xCB70] =	vst v2  }
0x4e: {  	s26 =	simm.s32 $0x0;
	[tilespmem:$0xCB80] =	vst v3  }
0x4f: {  	v2 =	vld [tilespmem:s26+$0x1C50]  }
0x50: {  	v3 =	vld [tilespmem:s26+$0x1C20]  }
0x51: {  	v6 =	vimm.f32 $0.0e+00;
	v4 =	vld [tilespmem:s26+$0x1C30]  }
0x52: {  	s24 =	simm.s32 $0x100;
	v7 =	vimm.f32 $0.0e+00;
	v8 =	vimm.f32 $0.0e+00;
	v1 =	vimm.f32 $0.0e+00;
	v5 =	vld [tilespmem:s26+$0x1C40]  }
.LBB2_7:
0x53: {  	p0 =	sne.s32 s24, $0x3100  }
.Ltmp2:
0x54: {  	s26 =	sshra.s32 s24, $0x2;
	s24 =	sadd.s32 $0x100, s24;
	v1 =	vadd.f32 v2, v1;
	(pc) =	sbr.rel @p0 .LBB2_7-.Ltmp2, $4  }
0x55: {  	v2 =	vld [tilespmem:s26+$0x1C50];
	v6 =	vadd.f32 v3, v6  }
0x56: {  	v3 =	vld [tilespmem:s26+$0x1C20];
	v7 =	vadd.f32 v4, v7  }
0x57: {  	v4 =	vld [tilespmem:s26+$0x1C30];
	v8 =	vadd.f32 v5, v8  }
0x58: {  	v5 =	vld [tilespmem:s26+$0x1C40]  }
0x59: {  	_ = 	snop  }
0x5a: {  	v1 =	vadd.f32 v2, v1  }
0x5b: {  	v3 =	vadd.f32 v3, v6  }
0x5c: {  	v4 =	vadd.f32 v4, v7;
	v1 =	vmul.f32 v1, v0  }
0x5d: {  	v5 =	vadd.f32 v5, v8;
	v3 =	vmul.f32 v3, v0  }
0x5e: {  	v2 =	vmul.f32 v4, v0;
	[tilespmem:$0xCBD0] =	vst v1  }
0x5f: {  	[tilespmem:$0xCBA0] =	vst v3;
	v3 =	vmul.f32 v5, v0  }
0x60: {  	[tilespmem:$0xCBB0] =	vst v2  }
0x61: {  	s26 =	simm.s32 $0x0;
	[tilespmem:$0xCBC0] =	vst v3  }
0x62: {  	v2 =	vld [tilespmem:s26+$0x28D0]  }
0x63: {  	v3 =	vld [tilespmem:s26+$0x28A0]  }
0x64: {  	v6 =	vimm.f32 $0.0e+00;
	v4 =	vld [tilespmem:s26+$0x28B0]  }
0x65: {  	s24 =	simm.s32 $0x100;
	v7 =	vimm.f32 $0.0e+00;
	v8 =	vimm.f32 $0.0e+00;
	v1 =	vimm.f32 $0.0e+00;
	v5 =	vld [tilespmem:s26+$0x28C0]  }
.LBB2_9:
0x66: {  	p0 =	sne.s32 s24, $0x3100  }
.Ltmp3:
0x67: {  	s26 =	sshra.s32 s24, $0x2;
	s24 =	sadd.s32 $0x100, s24;
	v1 =	vadd.f32 v2, v1;
	(pc) =	sbr.rel @p0 .LBB2_9-.Ltmp3, $4  }
0x68: {  	v2 =	vld [tilespmem:s26+$0x28D0];
	v6 =	vadd.f32 v3, v6  }
0x69: {  	v3 =	vld [tilespmem:s26+$0x28A0];
	v7 =	vadd.f32 v4, v7  }
0x6a: {  	v4 =	vld [tilespmem:s26+$0x28B0];
	v8 =	vadd.f32 v5, v8  }
0x6b: {  	v5 =	vld [tilespmem:s26+$0x28C0]  }
0x6c: {  	_ = 	snop  }
0x6d: {  	v1 =	vadd.f32 v2, v1  }
0x6e: {  	v3 =	vadd.f32 v3, v6  }
0x6f: {  	v4 =	vadd.f32 v4, v7;
	v1 =	vmul.f32 v1, v0  }
0x70: {  	v5 =	vadd.f32 v5, v8;
	v3 =	vmul.f32 v3, v0  }
0x71: {  	v2 =	vmul.f32 v4, v0;
	[tilespmem:$0xCC10] =	vst v1  }
0x72: {  	[tilespmem:$0xCBE0] =	vst v3;
	v3 =	vmul.f32 v5, v0  }
0x73: {  	[tilespmem:$0xCBF0] =	vst v2  }
0x74: {  	s26 =	simm.s32 $0x0;
	[tilespmem:$0xCC00] =	vst v3  }
0x75: {  	v2 =	vld [tilespmem:s26+$0x3550]  }
0x76: {  	v3 =	vld [tilespmem:s26+$0x3520]  }
0x77: {  	v6 =	vimm.f32 $0.0e+00;
	v4 =	vld [tilespmem:s26+$0x3530]  }
0x78: {  	s24 =	simm.s32 $0x100;
	v7 =	vimm.f32 $0.0e+00;
	v8 =	vimm.f32 $0.0e+00;
	v1 =	vimm.f32 $0.0e+00;
	v5 =	vld [tilespmem:s26+$0x3540]  }
.LBB2_11:
0x79: {  	p0 =	sne.s32 s24, $0x3100  }
.Ltmp4:
0x7a: {  	s26 =	sshra.s32 s24, $0x2;
	s24 =	sadd.s32 $0x100, s24;
	v1 =	vadd.f32 v2, v1;
	(pc) =	sbr.rel @p0 .LBB2_11-.Ltmp4, $4  }
0x7b: {  	v2 =	vld [tilespmem:s26+$0x3550];
	v6 =	vadd.f32 v3, v6  }
0x7c: {  	v3 =	vld [tilespmem:s26+$0x3520];
	v7 =	vadd.f32 v4, v7  }
0x7d: {  	v4 =	vld [tilespmem:s26+$0x3530];
	v8 =	vadd.f32 v5, v8  }
0x7e: {  	v5 =	vld [tilespmem:s26+$0x3540]  }
0x7f: {  	_ = 	snop  }
0x80: {  	v1 =	vadd.f32 v2, v1  }
0x81: {  	v3 =	vadd.f32 v3, v6  }
0x82: {  	v4 =	vadd.f32 v4, v7;
	v1 =	vmul.f32 v1, v0  }
0x83: {  	v5 =	vadd.f32 v5, v8;
	v3 =	vmul.f32 v3, v0  }
0x84: {  	v2 =	vmul.f32 v4, v0;
	[tilespmem:$0xCC50] =	vst v1  }
0x85: {  	[tilespmem:$0xCC20] =	vst v3;
	v3 =	vmul.f32 v5, v0  }
0x86: {  	[tilespmem:$0xCC30] =	vst v2  }
0x87: {  	s26 =	simm.s32 $0x0;
	[tilespmem:$0xCC40] =	vst v3  }
0x88: {  	v2 =	vld [tilespmem:s26+$0x41D0]  }
0x89: {  	v3 =	vld [tilespmem:s26+$0x41A0]  }
0x8a: {  	v6 =	vimm.f32 $0.0e+00;
	v4 =	vld [tilespmem:s26+$0x41B0]  }
0x8b: {  	s24 =	simm.s32 $0x100;
	v7 =	vimm.f32 $0.0e+00;
	v8 =	vimm.f32 $0.0e+00;
	v1 =	vimm.f32 $0.0e+00;
	v5 =	vld [tilespmem:s26+$0x41C0]  }
.LBB2_13:
0x8c: {  	p0 =	sne.s32 s24, $0x3100  }
.Ltmp5:
0x8d: {  	s26 =	sshra.s32 s24, $0x2;
	s24 =	sadd.s32 $0x100, s24;
	v1 =	vadd.f32 v2, v1;
	(pc) =	sbr.rel @p0 .LBB2_13-.Ltmp5, $4  }
0x8e: {  	v2 =	vld [tilespmem:s26+$0x41D0];
	v6 =	vadd.f32 v3, v6  }
0x8f: {  	v3 =	vld [tilespmem:s26+$0x41A0];
	v7 =	vadd.f32 v4, v7  }
0x90: {  	v4 =	vld [tilespmem:s26+$0x41B0];
	v8 =	vadd.f32 v5, v8  }
0x91: {  	v5 =	vld [tilespmem:s26+$0x41C0]  }
0x92: {  	_ = 	snop  }
0x93: {  	v1 =	vadd.f32 v2, v1  }
0x94: {  	v3 =	vadd.f32 v3, v6  }
0x95: {  	v4 =	vadd.f32 v4, v7;
	v1 =	vmul.f32 v1, v0  }
0x96: {  	v5 =	vadd.f32 v5, v8;
	v3 =	vmul.f32 v3, v0  }
0x97: {  	v2 =	vmul.f32 v4, v0;
	[tilespmem:$0xCC90] =	vst v1  }
0x98: {  	[tilespmem:$0xCC60] =	vst v3;
	v3 =	vmul.f32 v5, v0  }
0x99: {  	[tilespmem:$0xCC70] =	vst v2  }
0x9a: {  	s26 =	simm.s32 $0x0;
	[tilespmem:$0xCC80] =	vst v3  }
0x9b: {  	v2 =	vld [tilespmem:s26+$0x4E50]  }
0x9c: {  	v3 =	vld [tilespmem:s26+$0x4E20]  }
0x9d: {  	v6 =	vimm.f32 $0.0e+00;
	v4 =	vld [tilespmem:s26+$0x4E30]  }
0x9e: {  	s24 =	simm.s32 $0x100;
	v7 =	vimm.f32 $0.0e+00;
	v8 =	vimm.f32 $0.0e+00;
	v1 =	vimm.f32 $0.0e+00;
	v5 =	vld [tilespmem:s26+$0x4E40]  }
.LBB2_15:
0x9f: {  	p0 =	sne.s32 s24, $0x3100  }
.Ltmp6:
0xa0: {  	s26 =	sshra.s32 s24, $0x2;
	s24 =	sadd.s32 $0x100, s24;
	v1 =	vadd.f32 v2, v1;
	(pc) =	sbr.rel @p0 .LBB2_15-.Ltmp6, $4  }
0xa1: {  	v2 =	vld [tilespmem:s26+$0x4E50];
	v6 =	vadd.f32 v3, v6  }
0xa2: {  	v3 =	vld [tilespmem:s26+$0x4E20];
	v7 =	vadd.f32 v4, v7  }
0xa3: {  	v4 =	vld [tilespmem:s26+$0x4E30];
	v8 =	vadd.f32 v5, v8  }
0xa4: {  	v5 =	vld [tilespmem:s26+$0x4E40]  }
0xa5: {  	_ = 	snop  }
0xa6: {  	v1 =	vadd.f32 v2, v1  }
0xa7: {  	v3 =	vadd.f32 v3, v6  }
0xa8: {  	v4 =	vadd.f32 v4, v7;
	v1 =	vmul.f32 v1, v0  }
0xa9: {  	v5 =	vadd.f32 v5, v8;
	v3 =	vmul.f32 v3, v0  }
0xaa: {  	v2 =	vmul.f32 v4, v0;
	[tilespmem:$0xCCD0] =	vst v1  }
0xab: {  	[tilespmem:$0xCCA0] =	vst v3;
	v3 =	vmul.f32 v5, v0  }
0xac: {  	[tilespmem:$0xCCB0] =	vst v2  }
0xad: {  	s26 =	simm.s32 $0x0;
	[tilespmem:$0xCCC0] =	vst v3  }
0xae: {  	v2 =	vld [tilespmem:s26+$0x5AD0]  }
0xaf: {  	v3 =	vld [tilespmem:s26+$0x5AA0]  }
0xb0: {  	v6 =	vimm.f32 $0.0e+00;
	v4 =	vld [tilespmem:s26+$0x5AB0]  }
0xb1: {  	s24 =	simm.s32 $0x100;
	v7 =	vimm.f32 $0.0e+00;
	v8 =	vimm.f32 $0.0e+00;
	v1 =	vimm.f32 $0.0e+00;
	v5 =	vld [tilespmem:s26+$0x5AC0]  }
.LBB2_17:
0xb2: {  	p0 =	sne.s32 s24, $0x3100  }
.Ltmp7:
0xb3: {  	s26 =	sshra.s32 s24, $0x2;
	s24 =	sadd.s32 $0x100, s24;
	v1 =	vadd.f32 v2, v1;
	(pc) =	sbr.rel @p0 .LBB2_17-.Ltmp7, $4  }
0xb4: {  	v2 =	vld [tilespmem:s26+$0x5AD0];
	v6 =	vadd.f32 v3, v6  }
0xb5: {  	v3 =	vld [tilespmem:s26+$0x5AA0];
	v7 =	vadd.f32 v4, v7  }
0xb6: {  	v4 =	vld [tilespmem:s26+$0x5AB0];
	v8 =	vadd.f32 v5, v8  }
0xb7: {  	v5 =	vld [tilespmem:s26+$0x5AC0]  }
0xb8: {  	_ = 	snop  }
0xb9: {  	v1 =	vadd.f32 v2, v1  }
0xba: {  	v3 =	vadd.f32 v3, v6  }
0xbb: {  	s24 =	sshll.u32 s22, $0xB;
	v4 =	vadd.f32 v4, v7;
	v1 =	vmul.f32 v1, v0  }
0xbc: {  	s26 =	sand.u32 $0xF800, s24;
	v5 =	vadd.f32 v5, v8;
	v3 =	vmul.f32 v3, v0  }
0xbd: {  	s24 =	sand.u32 $0x40, s25;
	s26 =	sor.u32 s9, s26;
	v2 =	vmul.f32 v4, v0;
	[tilespmem:$0xCD10] =	vst v1  }
0xbe: {  	s26 =	sor.u32 s24, s26;
	[tilespmem:$0xCCE0] =	vst v3;
	v3 =	vmul.f32 v5, v0  }
0xbf: {  	p0 =	seq.s32 s22, $0x3F;
	s26 =	sshrl.u32 s26, $0x3;
	[tilespmem:$0xCCF0] =	vst v2  }
0xc0: {  	p1 =	sgt.u32 @!p0 s22, $0x1E;
	s26 =	sadd.s32 s6, s26;
	[tilespmem:$0xCD00] =	vst v3  }
0xc1: {  	[hbm4b:s26+s17] =	stream.strided.scatter [tilespmem:s19], [sflag:$0x3], $0x200, s18, s17, $0x38;
	[tilespmem:$0xCD30] =	vst v63  }
0xc2: {  	p1 =	por !p1, p0;
	s26 =	simm.s32 @!p0 $0x1FFFFFC0  }
0xc3: {  	s26 =	simm.s32 @p1 $0x0  }
0xc4: {  	s25 =	sadd.s32 @!p0 s26, s25  }
0xc5: {  	s25 =	sshll.u32 @!p0 s25, $0x3  }
0xc6: {  	s25 =	sadd.s32 @!p0 s7, s25  }
0xc7: {  	s26 =	simm.s32 @!p0 $0xC8000;
	s25 =	smul.u32 @!p0 $0x32, s25  }
0xc8: {  	s26 =	simm.s32 @p1 $0x0  }
0xc9: {  	s25 =	sadd.s32 @!p0 s26, s25  }
0xca: {  	_ =	swait.ge [sflag:s12], $0x200;
	s25 =	sadd.s32 @!p0 $0x320, s25  }
0xcb: {  	[sflag:s12] =	ssyncset.done $0x0;
	s25 =	sshrl.u32 @!p0 s25, $0x3  }
0xcc: {  	[sflag:s12] =	ssyncadd.s32 $0xFFFFFE00;
	s26 =	simm.s32 @!p0 $0x0;
	s25 =	sadd.s32 @!p0 s4, s25  }
0xcd: {  	[tilespmem:s26], [sflag:$0x3] =	stream.linear.gather @!p0 [hbm4b:s25+s26], $0x190, $0x38;
	[tilespmem:$0xCD30] =	vst v63  }
0xce: {  	s25 =	simm.s32 @!p0 $0x3  }
0xcf: {  	_ =	swait.ge @!p0 [sflag:s25], $0x190  }
0xd0: {  	[sflag:s25] =	ssyncset.done @!p0 $0x0  }
0xd1: {  	s28 =	simm.s32 @!p0 $0x320;
	[sflag:s25] =	ssyncadd.s32 @!p0 $0xFFFFFE70;
	s25 =	simm.s32 @!p0 $0x190  }
0xd2: {  	[tilespmem:s28], [sflag:$0x1] =	stream.indirect.gather @!p0 [hbm4b:s5+s25], $0x40, s26, s25, $0xb8;
	[tilespmem:$0xCD30] =	vst v63  }
0xd3: {  	_ =	swait.ge [sflag:s20], $0x6400  }
0xd4: {  	[sflag:s20] =	ssyncset.done $0x0  }
0xd5: {  	s31 =	simm.s32 $0x0;
	[sflag:s20] =	ssyncadd.s32 $0xFFFF9C00  }
0xd6: {  	v2 =	vld [tilespmem:s31+$0x6750]  }
0xd7: {  	v3 =	vld [tilespmem:s31+$0x6720]  }
0xd8: {  	v6 =	vimm.f32 $0.0e+00;
	v4 =	vld [tilespmem:s31+$0x6730]  }
0xd9: {  	v7 =	vimm.f32 $0.0e+00;
	v8 =	vimm.f32 $0.0e+00;
	v1 =	vimm.f32 $0.0e+00;
	s25 =	simm.s32 $0x100;
	v5 =	vld [tilespmem:s31+$0x6740]  }
.LBB2_19:
0xda: {  	p0 =	sne.s32 s25, $0x3100  }
.Ltmp8:
0xdb: {  	s26 =	sshra.s32 s25, $0x2;
	s25 =	sadd.s32 $0x100, s25;
	v1 =	vadd.f32 v2, v1;
	(pc) =	sbr.rel @p0 .LBB2_19-.Ltmp8, $4  }
0xdc: {  	v2 =	vld [tilespmem:s26+$0x6750];
	v6 =	vadd.f32 v3, v6  }
0xdd: {  	v3 =	vld [tilespmem:s26+$0x6720];
	v7 =	vadd.f32 v4, v7  }
0xde: {  	v4 =	vld [tilespmem:s26+$0x6730];
	v8 =	vadd.f32 v5, v8  }
0xdf: {  	v5 =	vld [tilespmem:s26+$0x6740]  }
0xe0: {  	_ = 	snop  }
0xe1: {  	v1 =	vadd.f32 v2, v1  }
0xe2: {  	v3 =	vadd.f32 v3, v6  }
0xe3: {  	v4 =	vadd.f32 v4, v7;
	v1 =	vmul.f32 v1, v0  }
0xe4: {  	v5 =	vadd.f32 v5, v8;
	v3 =	vmul.f32 v3, v0  }
0xe5: {  	v2 =	vmul.f32 v4, v0;
	[tilespmem:$0xCB50] =	vst v1  }
0xe6: {  	[tilespmem:$0xCB20] =	vst v3;
	v3 =	vmul.f32 v5, v0  }
0xe7: {  	[tilespmem:$0xCB30] =	vst v2  }
0xe8: {  	s26 =	simm.s32 $0x0;
	[tilespmem:$0xCB40] =	vst v3  }
0xe9: {  	v2 =	vld [tilespmem:s26+$0x73D0]  }
0xea: {  	v3 =	vld [tilespmem:s26+$0x73A0]  }
0xeb: {  	v6 =	vimm.f32 $0.0e+00;
	v4 =	vld [tilespmem:s26+$0x73B0]  }
0xec: {  	s25 =	simm.s32 $0x100;
	v7 =	vimm.f32 $0.0e+00;
	v8 =	vimm.f32 $0.0e+00;
	v1 =	vimm.f32 $0.0e+00;
	v5 =	vld [tilespmem:s26+$0x73C0]  }
.LBB2_21:
0xed: {  	p0 =	sne.s32 s25, $0x3100  }
.Ltmp9:
0xee: {  	s26 =	sshra.s32 s25, $0x2;
	s25 =	sadd.s32 $0x100, s25;
	v1 =	vadd.f32 v2, v1;
	(pc) =	sbr.rel @p0 .LBB2_21-.Ltmp9, $4  }
0xef: {  	v2 =	vld [tilespmem:s26+$0x73D0];
	v6 =	vadd.f32 v3, v6  }
0xf0: {  	v3 =	vld [tilespmem:s26+$0x73A0];
	v7 =	vadd.f32 v4, v7  }
0xf1: {  	v4 =	vld [tilespmem:s26+$0x73B0];
	v8 =	vadd.f32 v5, v8  }
0xf2: {  	v5 =	vld [tilespmem:s26+$0x73C0]  }
0xf3: {  	_ = 	snop  }
0xf4: {  	v1 =	vadd.f32 v2, v1  }
0xf5: {  	v3 =	vadd.f32 v3, v6  }
0xf6: {  	v4 =	vadd.f32 v4, v7;
	v1 =	vmul.f32 v1, v0  }
0xf7: {  	v5 =	vadd.f32 v5, v8;
	v3 =	vmul.f32 v3, v0  }
0xf8: {  	v2 =	vmul.f32 v4, v0;
	[tilespmem:$0xCB90] =	vst v1  }
0xf9: {  	[tilespmem:$0xCB60] =	vst v3;
	v3 =	vmul.f32 v5, v0  }
0xfa: {  	[tilespmem:$0xCB70] =	vst v2  }
0xfb: {  	s26 =	simm.s32 $0x0;
	[tilespmem:$0xCB80] =	vst v3  }
0xfc: {  	v2 =	vld [tilespmem:s26+$0x8050]  }
0xfd: {  	v3 =	vld [tilespmem:s26+$0x8020]  }
0xfe: {  	v6 =	vimm.f32 $0.0e+00;
	v4 =	vld [tilespmem:s26+$0x8030]  }
0xff: {  	s25 =	simm.s32 $0x100;
	v7 =	vimm.f32 $0.0e+00;
	v8 =	vimm.f32 $0.0e+00;
	v1 =	vimm.f32 $0.0e+00;
	v5 =	vld [tilespmem:s26+$0x8040]  }
.LBB2_23:
0x100: {  	p0 =	sne.s32 s25, $0x3100  }
.Ltmp10:
0x101: {  	s26 =	sshra.s32 s25, $0x2;
	s25 =	sadd.s32 $0x100, s25;
	v1 =	vadd.f32 v2, v1;
	(pc) =	sbr.rel @p0 .LBB2_23-.Ltmp10, $4  }
0x102: {  	v2 =	vld [tilespmem:s26+$0x8050];
	v6 =	vadd.f32 v3, v6  }
0x103: {  	v3 =	vld [tilespmem:s26+$0x8020];
	v7 =	vadd.f32 v4, v7  }
0x104: {  	v4 =	vld [tilespmem:s26+$0x8030];
	v8 =	vadd.f32 v5, v8  }
0x105: {  	v5 =	vld [tilespmem:s26+$0x8040]  }
0x106: {  	_ = 	snop  }
0x107: {  	v1 =	vadd.f32 v2, v1  }
0x108: {  	v3 =	vadd.f32 v3, v6  }
0x109: {  	v4 =	vadd.f32 v4, v7;
	v1 =	vmul.f32 v1, v0  }
0x10a: {  	v5 =	vadd.f32 v5, v8;
	v3 =	vmul.f32 v3, v0  }
0x10b: {  	v2 =	vmul.f32 v4, v0;
	[tilespmem:$0xCBD0] =	vst v1  }
0x10c: {  	[tilespmem:$0xCBA0] =	vst v3;
	v3 =	vmul.f32 v5, v0  }
0x10d: {  	[tilespmem:$0xCBB0] =	vst v2  }
0x10e: {  	s26 =	simm.s32 $0x0;
	[tilespmem:$0xCBC0] =	vst v3  }
0x10f: {  	v2 =	vld [tilespmem:s26+$0x8CD0]  }
0x110: {  	v3 =	vld [tilespmem:s26+$0x8CA0]  }
0x111: {  	v6 =	vimm.f32 $0.0e+00;
	v4 =	vld [tilespmem:s26+$0x8CB0]  }
0x112: {  	s25 =	simm.s32 $0x100;
	v7 =	vimm.f32 $0.0e+00;
	v8 =	vimm.f32 $0.0e+00;
	v1 =	vimm.f32 $0.0e+00;
	v5 =	vld [tilespmem:s26+$0x8CC0]  }
.LBB2_25:
0x113: {  	p0 =	sne.s32 s25, $0x3100  }
.Ltmp11:
0x114: {  	s26 =	sshra.s32 s25, $0x2;
	s25 =	sadd.s32 $0x100, s25;
	v1 =	vadd.f32 v2, v1;
	(pc) =	sbr.rel @p0 .LBB2_25-.Ltmp11, $4  }
0x115: {  	v2 =	vld [tilespmem:s26+$0x8CD0];
	v6 =	vadd.f32 v3, v6  }
0x116: {  	v3 =	vld [tilespmem:s26+$0x8CA0];
	v7 =	vadd.f32 v4, v7  }
0x117: {  	v4 =	vld [tilespmem:s26+$0x8CB0];
	v8 =	vadd.f32 v5, v8  }
0x118: {  	v5 =	vld [tilespmem:s26+$0x8CC0]  }
0x119: {  	_ = 	snop  }
0x11a: {  	v1 =	vadd.f32 v2, v1  }
0x11b: {  	v3 =	vadd.f32 v3, v6  }
0x11c: {  	v4 =	vadd.f32 v4, v7;
	v1 =	vmul.f32 v1, v0  }
0x11d: {  	v5 =	vadd.f32 v5, v8;
	v3 =	vmul.f32 v3, v0  }
0x11e: {  	v2 =	vmul.f32 v4, v0;
	[tilespmem:$0xCC10] =	vst v1  }
0x11f: {  	[tilespmem:$0xCBE0] =	vst v3;
	v3 =	vmul.f32 v5, v0  }
0x120: {  	[tilespmem:$0xCBF0] =	vst v2  }
0x121: {  	s26 =	simm.s32 $0x0;
	[tilespmem:$0xCC00] =	vst v3  }
0x122: {  	v2 =	vld [tilespmem:s26+$0x9950]  }
0x123: {  	v3 =	vld [tilespmem:s26+$0x9920]  }
0x124: {  	v6 =	vimm.f32 $0.0e+00;
	v4 =	vld [tilespmem:s26+$0x9930]  }
0x125: {  	s25 =	simm.s32 $0x100;
	v7 =	vimm.f32 $0.0e+00;
	v8 =	vimm.f32 $0.0e+00;
	v1 =	vimm.f32 $0.0e+00;
	v5 =	vld [tilespmem:s26+$0x9940]  }
.LBB2_27:
0x126: {  	p0 =	sne.s32 s25, $0x3100  }
.Ltmp12:
0x127: {  	s26 =	sshra.s32 s25, $0x2;
	s25 =	sadd.s32 $0x100, s25;
	v1 =	vadd.f32 v2, v1;
	(pc) =	sbr.rel @p0 .LBB2_27-.Ltmp12, $4  }
0x128: {  	v2 =	vld [tilespmem:s26+$0x9950];
	v6 =	vadd.f32 v3, v6  }
0x129: {  	v3 =	vld [tilespmem:s26+$0x9920];
	v7 =	vadd.f32 v4, v7  }
0x12a: {  	v4 =	vld [tilespmem:s26+$0x9930];
	v8 =	vadd.f32 v5, v8  }
0x12b: {  	v5 =	vld [tilespmem:s26+$0x9940]  }
0x12c: {  	_ = 	snop  }
0x12d: {  	v1 =	vadd.f32 v2, v1  }
0x12e: {  	v3 =	vadd.f32 v3, v6  }
0x12f: {  	v4 =	vadd.f32 v4, v7;
	v1 =	vmul.f32 v1, v0  }
0x130: {  	v5 =	vadd.f32 v5, v8;
	v3 =	vmul.f32 v3, v0  }
0x131: {  	v2 =	vmul.f32 v4, v0;
	[tilespmem:$0xCC50] =	vst v1  }
0x132: {  	[tilespmem:$0xCC20] =	vst v3;
	v3 =	vmul.f32 v5, v0  }
0x133: {  	[tilespmem:$0xCC30] =	vst v2  }
0x134: {  	s26 =	simm.s32 $0x0;
	[tilespmem:$0xCC40] =	vst v3  }
0x135: {  	v2 =	vld [tilespmem:s26+$0xA5D0]  }
0x136: {  	v3 =	vld [tilespmem:s26+$0xA5A0]  }
0x137: {  	v6 =	vimm.f32 $0.0e+00;
	v4 =	vld [tilespmem:s26+$0xA5B0]  }
0x138: {  	s25 =	simm.s32 $0x100;
	v7 =	vimm.f32 $0.0e+00;
	v8 =	vimm.f32 $0.0e+00;
	v1 =	vimm.f32 $0.0e+00;
	v5 =	vld [tilespmem:s26+$0xA5C0]  }
.LBB2_29:
0x139: {  	p0 =	sne.s32 s25, $0x3100  }
.Ltmp13:
0x13a: {  	s26 =	sshra.s32 s25, $0x2;
	s25 =	sadd.s32 $0x100, s25;
	v1 =	vadd.f32 v2, v1;
	(pc) =	sbr.rel @p0 .LBB2_29-.Ltmp13, $4  }
0x13b: {  	v2 =	vld [tilespmem:s26+$0xA5D0];
	v6 =	vadd.f32 v3, v6  }
0x13c: {  	v3 =	vld [tilespmem:s26+$0xA5A0];
	v7 =	vadd.f32 v4, v7  }
0x13d: {  	v4 =	vld [tilespmem:s26+$0xA5B0];
	v8 =	vadd.f32 v5, v8  }
0x13e: {  	v5 =	vld [tilespmem:s26+$0xA5C0]  }
0x13f: {  	_ = 	snop  }
0x140: {  	v1 =	vadd.f32 v2, v1  }
0x141: {  	v3 =	vadd.f32 v3, v6  }
0x142: {  	v4 =	vadd.f32 v4, v7;
	v1 =	vmul.f32 v1, v0  }
0x143: {  	v5 =	vadd.f32 v5, v8;
	v3 =	vmul.f32 v3, v0  }
0x144: {  	v2 =	vmul.f32 v4, v0;
	[tilespmem:$0xCC90] =	vst v1  }
0x145: {  	[tilespmem:$0xCC60] =	vst v3;
	v3 =	vmul.f32 v5, v0  }
0x146: {  	[tilespmem:$0xCC70] =	vst v2  }
0x147: {  	s26 =	simm.s32 $0x0;
	[tilespmem:$0xCC80] =	vst v3  }
0x148: {  	v2 =	vld [tilespmem:s26+$0xB250]  }
0x149: {  	v3 =	vld [tilespmem:s26+$0xB220]  }
0x14a: {  	v6 =	vimm.f32 $0.0e+00;
	v4 =	vld [tilespmem:s26+$0xB230]  }
0x14b: {  	s25 =	simm.s32 $0x100;
	v7 =	vimm.f32 $0.0e+00;
	v8 =	vimm.f32 $0.0e+00;
	v1 =	vimm.f32 $0.0e+00;
	v5 =	vld [tilespmem:s26+$0xB240]  }
.LBB2_31:
0x14c: {  	p0 =	sne.s32 s25, $0x3100  }
.Ltmp14:
0x14d: {  	s26 =	sshra.s32 s25, $0x2;
	s25 =	sadd.s32 $0x100, s25;
	v1 =	vadd.f32 v2, v1;
	(pc) =	sbr.rel @p0 .LBB2_31-.Ltmp14, $4  }
0x14e: {  	v2 =	vld [tilespmem:s26+$0xB250];
	v6 =	vadd.f32 v3, v6  }
0x14f: {  	v3 =	vld [tilespmem:s26+$0xB220];
	v7 =	vadd.f32 v4, v7  }
0x150: {  	v4 =	vld [tilespmem:s26+$0xB230];
	v8 =	vadd.f32 v5, v8  }
0x151: {  	v5 =	vld [tilespmem:s26+$0xB240]  }
0x152: {  	_ = 	snop  }
0x153: {  	v1 =	vadd.f32 v2, v1  }
0x154: {  	v3 =	vadd.f32 v3, v6  }
0x155: {  	v4 =	vadd.f32 v4, v7;
	v1 =	vmul.f32 v1, v0  }
0x156: {  	v5 =	vadd.f32 v5, v8;
	v3 =	vmul.f32 v3, v0  }
0x157: {  	v2 =	vmul.f32 v4, v0;
	[tilespmem:$0xCCD0] =	vst v1  }
0x158: {  	[tilespmem:$0xCCA0] =	vst v3;
	v3 =	vmul.f32 v5, v0  }
0x159: {  	[tilespmem:$0xCCB0] =	vst v2  }
0x15a: {  	s26 =	simm.s32 $0x0;
	[tilespmem:$0xCCC0] =	vst v3  }
0x15b: {  	v2 =	vld [tilespmem:s26+$0xBED0]  }
0x15c: {  	v3 =	vld [tilespmem:s26+$0xBEA0]  }
0x15d: {  	v6 =	vimm.f32 $0.0e+00;
	v4 =	vld [tilespmem:s26+$0xBEB0]  }
0x15e: {  	s25 =	simm.s32 $0x100;
	v7 =	vimm.f32 $0.0e+00;
	v8 =	vimm.f32 $0.0e+00;
	v1 =	vimm.f32 $0.0e+00;
	v5 =	vld [tilespmem:s26+$0xBEC0]  }
.LBB2_33:
0x15f: {  	p0 =	sne.s32 s25, $0x3100  }
.Ltmp15:
0x160: {  	s26 =	sshra.s32 s25, $0x2;
	s25 =	sadd.s32 $0x100, s25;
	v1 =	vadd.f32 v2, v1;
	(pc) =	sbr.rel @p0 .LBB2_33-.Ltmp15, $4  }
0x161: {  	v2 =	vld [tilespmem:s26+$0xBED0];
	v6 =	vadd.f32 v3, v6  }
0x162: {  	v3 =	vld [tilespmem:s26+$0xBEA0];
	v7 =	vadd.f32 v4, v7  }
0x163: {  	v4 =	vld [tilespmem:s26+$0xBEB0];
	v8 =	vadd.f32 v5, v8  }
0x164: {  	v5 =	vld [tilespmem:s26+$0xBEC0]  }
0x165: {  	_ = 	snop  }
0x166: {  	v1 =	vadd.f32 v2, v1  }
0x167: {  	v3 =	vadd.f32 v3, v6  }
0x168: {  	s23 =	ssub.s32 s23, s24;
	v4 =	vadd.f32 v4, v7;
	v1 =	vmul.f32 v1, v0  }
0x169: {  	s23 =	sshll.u32 s23, $0xA;
	v5 =	vadd.f32 v5, v8;
	v3 =	vmul.f32 v3, v0  }
0x16a: {  	s23 =	sadd.s32 s9, s23;
	v2 =	vmul.f32 v4, v0;
	[tilespmem:$0xCD10] =	vst v1  }
0x16b: {  	s22 =	sadd.s32 $0x1, s22;
	s23 =	sor.u32 s24, s23;
	[tilespmem:$0xCCE0] =	vst v3;
	v3 =	vmul.f32 v5, v0  }
0x16c: {  	p0 =	sne.s32 s22, $0x40;
	s23 =	sshrl.u32 s23, $0x3;
	[tilespmem:$0xCCF0] =	vst v2  }
.Ltmp16:
0x16d: {  	s23 =	sadd.s32 s6, s23;
	[tilespmem:$0xCD00] =	vst v3;
	(pc) =	sbr.rel @p0 .LBB2_2-.Ltmp16, $4  }
0x16e: {  	[hbm4b:s23+s17] =	stream.strided.scatter [tilespmem:s19], [sflag:$0x3], $0x200, s18, s17, $0x38;
	[tilespmem:$0xCD30] =	vst v63  }
0x16f: {  	_ =	swait.ge [sflag:s12], $0x200  }
0x170: {  	[sflag:s12] =	ssyncset.done $0x0  }
0x171: {  	[sflag:s12] =	ssyncadd.s32 $0xFFFFFE00  }
0x172: {  	s21 =	sadd.s32 $0x1, s21  }
0x173: {  	p0 =	sne.s32 s21, s10  }
.Ltmp17:
0x174: {  	_ = 	snop;
	(pc) =	sbr.rel @p0 .LBB2_1-.Ltmp17, $1  }
0x175: {  	_ =	sdelay $0x3  }
0x176: {  	_ =	sfence.sel $0x180000  }
0x177: {  	[bflag:$0x0] =	sbarrier.arrive $0xFFFF  }
0x178: {  	p0 =	sne.s32 s1, $0x0;
	_ =	strace $0x90000047  }
0x179: {  	s0 =	sadd.s32 @!p0 $0x100000, s0;
	[bflag:$0x2] =	sbarrier.arrive $0xFFFF  }
0x17a: {  	[sflag:s0] =	ssyncadd.tile.s32 @!p0 $0x1;
	_ =	shalt  }
.Lfunc_end2:
_tile_overlayer_lowered:
.L_overlay_start_2:
0x17b: {  	(tag) =	ssettag $0x2  }
0x17c: {  	s0 =	rddreg [dreg:$0x0];
	s2 =	stileid.u32  }
0x17d: {  	s1 =	rddreg [dreg:$0x1];
	p0 =	sne.s32 s2, $0x0  }
0x17e: {  	s3 =	rddreg [dreg:$0x2];
	[bflag:$0x3] =	sbarrier.arrive $0xFFFF;
	s2 =	simm.s32 @!p0 $0x1C03  }
0x17f: {  	[timem:s3], [sflag:s2] =	dma.local @!p0 [hbm:s0], s1  }
0x180: {  	s0 =	simm.s32 @!p0 $0x3  }
0x181: {  	_ =	swait.ge @!p0 [sflag:s0], s1  }
0x182: {  	s1 =	ssub.s32 @!p0 $0x0, s1;
	[sflag:s0] =	ssyncset.done @!p0 $0x0  }
0x183: {  	[sflag:s0] =	ssyncadd.s32 @!p0 s1  }
0x184: {  	[bflag:$0x3] =	sbarrier.arrive $0xFFFF  }
0x185: {  	_ =	shalt  }

</sc_bundles>
